<compile_context>
chip_gen: v7x
topology: tpu7x:2x2x1
jax: 0.10.2.dev20260603
libtpu: 0.0.44.dev20260713+nightly
codegen_flags: <defaults>
</compile_context>

<pallas_src>
import functools

import jax
import jax.numpy as jnp
from jax import lax
from jax.experimental import pallas as pl
from jax.experimental.pallas import tpu as pltpu
from jax.experimental.pallas import tpu_sc as plsc

B, V, C = 16, 50, 512
D, DFF = 256, 1024

G = 8
R = G * V

NC, NS = 2, 16
NW = NC * NS
DH = D // 2
VG = 56
NROWS = (NW // 2) * VG


def _sc_embed(cx_rows, table1):
    mesh = plsc.VectorSubcoreMesh(core_axis_name="c", subcore_axis_name="s")

    @functools.partial(
        pl.kernel, mesh=mesh,
        out_type=jax.ShapeDtypeStruct((2, NROWS, DH), jnp.float32),
        scratch_types=[
            pltpu.VMEM((C, DH), jnp.float32),
            pltpu.VMEM((VG, C), jnp.float32),
            pltpu.VMEM((VG, DH), jnp.float32),
        ],
    )
    def k(cx_hbm, tbl_hbm, out_hbm, tbl_v, cx_v, out_v):
        cid = lax.axis_index("c")
        sid = lax.axis_index("s")
        wid = sid * NC + cid
        dh = wid % 2
        grp = wid // 2
        pltpu.sync_copy(tbl_hbm.at[dh], tbl_v)
        pltpu.sync_copy(cx_hbm.at[pl.ds(grp * VG, VG)], cx_v)
        lane = lax.iota(jnp.int32, 16)

        def visit_body(n, _):
            def chunk_body(cc, accs):
                cx_chunk = cx_v[n, pl.ds(cc * 16, 16)]
                def j_step(j, accs):
                    idxv = lane * 0 + j
                    dn = lax.GatherDimensionNumbers(
                        offset_dims=(), collapsed_slice_dims=(0,),
                        start_index_map=(0,))
                    splat = lax.gather(
                        cx_chunk, idxv[:, None], dn, slice_sizes=(1,),
                        mode=lax.GatherScatterMode.PROMISE_IN_BOUNDS)
                    row = cc * 16 + j
                    accs = tuple(
                        accs[t] + splat * tbl_v[row, pl.ds(t * 16, 16)]
                        for t in range(DH // 16))
                    return accs
                return lax.fori_loop(0, 16, j_step, accs, unroll=True)
            accs = tuple(jnp.zeros((16,), jnp.float32) for _ in range(DH // 16))
            accs = lax.fori_loop(0, C // 16, chunk_body, accs)
            for t in range(DH // 16):
                out_v[n, pl.ds(t * 16, 16)] = accs[t]
            return 0
        lax.fori_loop(0, VG, visit_body, 0)
        pltpu.sync_copy(out_v, out_hbm.at[dh, pl.ds(grp * VG, VG)])

    cx_pad = jnp.zeros((NROWS, C), jnp.float32).at[:B * V].set(cx_rows)
    halves = k(cx_pad, table1.reshape(C, 2, DH).transpose(1, 0, 2))
    return jnp.concatenate([halves[0, :B * V], halves[1, :B * V]], axis=-1)


def _layer_norm(x):
    m = jnp.mean(x, axis=-1, keepdims=True)
    v = jnp.mean((x - m) ** 2, axis=-1, keepdims=True)
    return (x - m) / jnp.sqrt(v + 1e-5)


def _tc_kernel(h_ref, pos_ref, wq_ref, wk_ref, wv_ref,
               wo_ref, w1_ref, w2_ref, wout_ref, out_ref):
    h = h_ref[...]
    tr = jax.lax.broadcasted_iota(jnp.int32, (R, V), 0) % V
    tv = jax.lax.broadcasted_iota(jnp.int32, (R, V), 1)
    tile_op = jnp.where(tr == tv, jnp.float32(1.0), 0.0)
    h = h + jnp.dot(tile_op, pos_ref[...],
                    preferred_element_type=jnp.float32)
    q = jnp.dot(h, wq_ref[...], preferred_element_type=jnp.float32)
    k = jnp.dot(h, wk_ref[...], preferred_element_type=jnp.float32)
    v = jnp.dot(h, wv_ref[...], preferred_element_type=jnp.float32)
    scores = jax.lax.dot_general(
        q, k, (((1,), (1,)), ((), ())),
        preferred_element_type=jnp.float32) * (1.0 / jnp.sqrt(jnp.float32(D)))
    ri = jax.lax.broadcasted_iota(jnp.int32, (R, R), 0) // V
    ci = jax.lax.broadcasted_iota(jnp.int32, (R, R), 1) // V
    scores = jnp.where(ri == ci, scores, -1e30)
    scores = scores - jnp.max(scores, axis=-1, keepdims=True)
    e = jnp.exp(scores)
    attn = e / jnp.sum(e, axis=-1, keepdims=True)
    av = jnp.dot(attn, v, preferred_element_type=jnp.float32)
    h = _layer_norm(h + jnp.dot(av, wo_ref[...],
                                preferred_element_type=jnp.float32))
    ff = jnp.maximum(jnp.dot(h, w1_ref[...],
                             preferred_element_type=jnp.float32), 0.0)
    h = _layer_norm(h + jnp.dot(ff, w2_ref[...],
                                preferred_element_type=jnp.float32))
    pg = jax.lax.broadcasted_iota(jnp.int32, (G, R), 0)
    pr = jax.lax.broadcasted_iota(jnp.int32, (G, R), 1) // V
    pool = jnp.where(pg == pr, jnp.float32(1.0 / V), 0.0)
    pooled = jnp.dot(pool, h, preferred_element_type=jnp.float32)
    out_ref[:, 0, :] = jnp.dot(pooled, wout_ref[...],
                               preferred_element_type=jnp.float32)


def _const_spec(shape):
    return pl.BlockSpec(shape, lambda s: (0,) * len(shape))


@jax.jit
def _run(code_x, table, pos, Wq, Wk, Wv, Wo, W1, W2, Wout):
    cx_rows = code_x.reshape(B * V, C)
    h_raw = _sc_embed(cx_rows, table[1:])
    out = pl.pallas_call(
        _tc_kernel,
        grid=(B // G,),
        in_specs=[
            pl.BlockSpec((R, D), lambda s: (s, 0)),
            _const_spec((V, D)),
            _const_spec((D, D)),
            _const_spec((D, D)),
            _const_spec((D, D)),
            _const_spec((D, D)),
            _const_spec((D, DFF)),
            _const_spec((DFF, D)),
            _const_spec((D, C)),
        ],
        out_specs=pl.BlockSpec((G, 1, C), lambda s: (s, 0, 0)),
        out_shape=jax.ShapeDtypeStruct((B, 1, C), jnp.float32),
    )(h_raw, pos, Wq, Wk, Wv, Wo, W1, W2, Wout)
    return out.reshape(B, C)


def kernel(code_x, divided, neighbors, table, pos, Wq, Wk, Wv, Wo,
           W1, W2, Wout, visit_lens):
    del divided, neighbors, visit_lens
    return _run(code_x, table, pos, Wq, Wk, Wv, Wo, W1, W2, Wout)

# --- scband reference (transcript-rebuilt; emitter-appended) ---
"""Pipeline reference for scband-transformer-adapter-47382079210050 (READ-ONLY COPY).

The authoritative reference and input builder live on the scoring server;
editing this copy changes nothing except your own understanding.
"""

import jax, jax.numpy as jnp
import numpy as np

B, V, C = 16, 50, 512
D, DFF = 256, 1024

def setup_inputs(seed: int = 0):
    key = jax.random.key(seed)
    ks = jax.random.split(key, 14)
    code_x = jax.random.randint(ks[0], (B, V, C), 0, 2).astype(jnp.float32)
    divided = jax.random.normal(ks[1], (B, V, C, 3), dtype=jnp.float32)
    neighbors = jax.random.randint(ks[2], (B, V, C), 0, 2).astype(jnp.float32)
    visit_lens = jax.random.randint(ks[3], (B,), 1, V + 1)
    s = 0.02
    table = (jax.random.normal(ks[4], (C + 1, D), dtype=jnp.float32) * s).at[0].set(0.0)
    pos = jax.random.normal(ks[5], (V, D), dtype=jnp.float32) * s
    Wq = jax.random.normal(ks[6], (D, D), dtype=jnp.float32) * s
    Wk = jax.random.normal(ks[7], (D, D), dtype=jnp.float32) * s
    Wv = jax.random.normal(ks[8], (D, D), dtype=jnp.float32) * s
    Wo = jax.random.normal(ks[9], (D, D), dtype=jnp.float32) * s
    W1 = jax.random.normal(ks[10], (D, DFF), dtype=jnp.float32) * s
    W2 = jax.random.normal(ks[11], (DFF, D), dtype=jnp.float32) * s
    Wout = jax.random.normal(ks[12], (D, C), dtype=jnp.float32) * s
    return {"code_x": code_x, "divided": divided, "neighbors": neighbors,
            "table": table, "pos": pos, "Wq": Wq, "Wk": Wk, "Wv": Wv, "Wo": Wo,
            "W1": W1, "W2": W2, "Wout": Wout, "visit_lens": visit_lens}

def _layer_norm(x):
    m = jnp.mean(x, axis=-1, keepdims=True)
    v = jnp.var(x, axis=-1, keepdims=True)
    return (x - m) / jnp.sqrt(v + 1e-5)

def reference(code_x, divided, neighbors, table, pos, Wq, Wk, Wv, Wo, W1, W2, Wout, visit_lens):
    # prepare_input: extract nonzero code indices per visit, pad to max_codes_per_visit, shift by +1 (0 = pad)
    order = jnp.argsort(-code_x, axis=-1)  # stable: ones first, ascending index (matches torch.nonzero order)
    K = code_x.shape[-1]
    idx = order[..., :K]                                   # [B, V, K]
    mask = jnp.take_along_axis(code_x, idx, axis=-1)       # [B, V, K] 1.0 where real code
    padded = (idx + 1) * (mask > 0).astype(idx.dtype)      # [B, V, K] code ids, 0 = pad
    # transformer over the padded code dict: embed codes, sum per visit, 1-layer encoder, mean-pool, head
    emb = jnp.take(table, padded, axis=0) * mask[..., None]  # [B, V, K, D]
    h = emb.sum(axis=2) + pos[None, :, :]                     # [B, V, D]
    q = h @ Wq; k = h @ Wk; v = h @ Wv
    scores = jnp.einsum('bid,bjd->bij', q, k) / jnp.sqrt(jnp.float32(D))
    attn = jax.nn.softmax(scores, axis=-1)
    h = _layer_norm(h + jnp.einsum('bij,bjd->bid', attn, v) @ Wo)
    h = _layer_norm(h + jax.nn.relu(h @ W1) @ W2)
    pooled = h.mean(axis=1)                                   # [B, D]
    return pooled @ Wout                                      # [B, C]

if __name__ == "__main__":
    import jax
    _d = setup_inputs()
    print(jax.jit(kernel)(*tuple(_d.values())))

</pallas_src>

<mosaic_0001>
#map = affine_map<(d0, d1) -> (0, 0)>
#map1 = affine_map<(d0, d1) -> (0, 0, 0)>
module attributes {stable_mosaic.version = 14 : i64} {
  func.func @k(%arg0: i32, %arg1: i32, %arg2: memref<896x512xf32, #tpu.memory_space<hbm>>, %arg3: memref<2x512x128xf32, #tpu.memory_space<hbm>>, %arg4: memref<2x896x128xf32, #tpu.memory_space<hbm>>, %arg5: memref<512x128xf32, #tpu.memory_space<vmem>>, %arg6: memref<56x512xf32, #tpu.memory_space<vmem>>, %arg7: memref<56x128xf32, #tpu.memory_space<vmem>>) attributes {dimension_semantics = [#tpu.dimension_semantics<core_parallel>, #tpu.dimension_semantics<subcore_parallel>], iteration_bounds = array<i64: 2, 16>, scalar_prefetch = 0 : i64, scratch_operands = 3 : i64, tpu.core_type = #tpu.core_type<sc_vector_subcore>, window_params = [{transform_indices = #map}, {transform_indices = #map1}, {transform_indices = #map1}]} {
    %mul3A = arith.constant 2 : i32
    %mul3A_0 = arith.muli %arg1, %mul3A : i32
    %add3A = arith.addi %mul3A_0, %arg0 : i32
    %jit3A = arith.constant 2 : i32
    %eq3A = arith.constant 0 : i32
    %eq3A_1 = arith.cmpi eq, %jit3A, %eq3A : i32
    %jit3A_2 = arith.constant 1 : i32
    %select_n3A = arith.select %eq3A_1, %jit3A_2, %jit3A : i32
    %rem3A = arith.remsi %add3A, %select_n3A : i32
    %ne3A = arith.constant 0 : i32
    %ne3A_3 = arith.cmpi ne, %rem3A, %ne3A : i32
    %lt3A = arith.constant 0 : i32
    %lt3A_4 = arith.cmpi slt, %rem3A, %lt3A : i32
    %lt3A_5 = arith.constant 0 : i32
    %lt3A_6 = arith.cmpi slt, %select_n3A, %lt3A_5 : i32
    %ne3A_7 = arith.xori %lt3A_4, %lt3A_6 : i1
    %and3A = arith.andi %ne3A_7, %ne3A_3 : i1
    %add3A_8 = arith.addi %rem3A, %select_n3A : i32
    %select_n3A_9 = arith.select %and3A, %add3A_8, %rem3A : i32
    %jit3A_10 = arith.constant 2 : i32
    %div3A = arith.divsi %add3A, %jit3A_10 : i32
    %sign3A = arith.constant 0 : i32
    %sign3A_11 = arith.cmpi sgt, %add3A, %sign3A : i32
    %sign3A_12 = arith.extui %sign3A_11 : i1 to i32
    %sign3A_13 = arith.constant 0 : i32
    %sign3A_14 = arith.cmpi slt, %add3A, %sign3A_13 : i32
    %sign3A_15 = arith.extui %sign3A_14 : i1 to i32
    %sign3A_16 = arith.subi %sign3A_12, %sign3A_15 : i32
    %sign3A_17 = arith.constant 0 : i32
    %sign3A_18 = arith.cmpi sgt, %jit3A_10, %sign3A_17 : i32
    %sign3A_19 = arith.extui %sign3A_18 : i1 to i32
    %sign3A_20 = arith.constant 0 : i32
    %sign3A_21 = arith.cmpi slt, %jit3A_10, %sign3A_20 : i32
    %sign3A_22 = arith.extui %sign3A_21 : i1 to i32
    %sign3A_23 = arith.subi %sign3A_19, %sign3A_22 : i32
    %ne3A_24 = arith.cmpi ne, %sign3A_16, %sign3A_23 : i32
    %rem3A_25 = arith.remsi %add3A, %jit3A_10 : i32
    %ne3A_26 = arith.constant 0 : i32
    %ne3A_27 = arith.cmpi ne, %rem3A_25, %ne3A_26 : i32
    %and3A_28 = arith.andi %ne3A_24, %ne3A_27 : i1
    %sub3A = arith.constant 1 : i32
    %sub3A_29 = arith.subi %div3A, %sub3A : i32
    %select_n3A_30 = arith.select %and3A_28, %sub3A_29, %div3A : i32
    "tpu.region"() ({
      %run_scoped3A = tpu.sem_alloc : memref<!tpu.dma_semaphore, #tpu.memory_space<semaphore_mem>>
      %dma_start3A = arith.constant 0 : i32
      %dma_start3A_41 = arith.constant 0 : i32
      %dma_start3A_42 = tpu.memref_slice %arg3[%select_n3A_9, %dma_start3A, %dma_start3A_41] : memref<2x512x128xf32, #tpu.memory_space<hbm>> -> memref<1x512x128xf32, #tpu.memory_space<hbm>>
      %dma_start3A_43 = tpu.memref_squeeze %dma_start3A_42 : memref<1x512x128xf32, #tpu.memory_space<hbm>> -> memref<512x128xf32, #tpu.memory_space<hbm>>
      %dma_start3A_44 = arith.constant 0 : i32
      %dma_start3A_45 = arith.constant 0 : i32
      %dma_start3A_46 = tpu.memref_slice %arg3[%select_n3A_9, %dma_start3A_44, %dma_start3A_45] : memref<2x512x128xf32, #tpu.memory_space<hbm>> -> memref<1x512x128xf32, #tpu.memory_space<hbm>>
      %dma_start3A_47 = tpu.memref_squeeze %dma_start3A_46 : memref<1x512x128xf32, #tpu.memory_space<hbm>> -> memref<512x128xf32, #tpu.memory_space<hbm>>
      tpu.enqueue_dma source(%dma_start3A_47 : memref<512x128xf32, #tpu.memory_space<hbm>>) target(%arg5 : memref<512x128xf32, #tpu.memory_space<vmem>>) target_semaphore(%run_scoped3A : memref<!tpu.dma_semaphore, #tpu.memory_space<semaphore_mem>>)
      %dma_wait3A = arith.constant 0 : i32
      %dma_wait3A_48 = arith.constant 0 : i32
      %dma_wait3A_49 = tpu.memref_slice %arg3[%select_n3A_9, %dma_wait3A, %dma_wait3A_48] : memref<2x512x128xf32, #tpu.memory_space<hbm>> -> memref<1x512x128xf32, #tpu.memory_space<hbm>>
      %dma_wait3A_50 = tpu.memref_squeeze %dma_wait3A_49 : memref<1x512x128xf32, #tpu.memory_space<hbm>> -> memref<512x128xf32, #tpu.memory_space<hbm>>
      %dma_wait3A_51 = arith.constant 0 : i32
      %dma_wait3A_52 = arith.constant 0 : i32
      %dma_wait3A_53 = tpu.memref_slice %arg3[%select_n3A_9, %dma_wait3A_51, %dma_wait3A_52] : memref<2x512x128xf32, #tpu.memory_space<hbm>> -> memref<1x512x128xf32, #tpu.memory_space<hbm>>
      %dma_wait3A_54 = tpu.memref_squeeze %dma_wait3A_53 : memref<1x512x128xf32, #tpu.memory_space<hbm>> -> memref<512x128xf32, #tpu.memory_space<hbm>>
      tpu.wait_dma2 semaphore(%run_scoped3A : memref<!tpu.dma_semaphore, #tpu.memory_space<semaphore_mem>>) src(%dma_wait3A_54 : memref<512x128xf32, #tpu.memory_space<hbm>>) dst(%arg5 : memref<512x128xf32, #tpu.memory_space<vmem>>)
      tpu.yield
    }) : () -> ()
    %mul3A_31 = arith.constant 56 : i32
    %mul3A_32 = arith.muli %select_n3A_30, %mul3A_31 : i32
    "tpu.region"() ({
      %run_scoped3A = tpu.sem_alloc : memref<!tpu.dma_semaphore, #tpu.memory_space<semaphore_mem>>
      %dma_start3A = arith.constant 0 : i32
      %dma_start3A_41 = tpu.memref_slice %arg2[%mul3A_32, %dma_start3A] : memref<896x512xf32, #tpu.memory_space<hbm>> -> memref<56x512xf32, #tpu.memory_space<hbm>>
      %dma_start3A_42 = arith.constant 0 : i32
      %dma_start3A_43 = tpu.memref_slice %arg2[%mul3A_32, %dma_start3A_42] : memref<896x512xf32, #tpu.memory_space<hbm>> -> memref<56x512xf32, #tpu.memory_space<hbm>>
      tpu.enqueue_dma source(%dma_start3A_43 : memref<56x512xf32, #tpu.memory_space<hbm>>) target(%arg6 : memref<56x512xf32, #tpu.memory_space<vmem>>) target_semaphore(%run_scoped3A : memref<!tpu.dma_semaphore, #tpu.memory_space<semaphore_mem>>)
      %dma_wait3A = arith.constant 0 : i32
      %dma_wait3A_44 = tpu.memref_slice %arg2[%mul3A_32, %dma_wait3A] : memref<896x512xf32, #tpu.memory_space<hbm>> -> memref<56x512xf32, #tpu.memory_space<hbm>>
      %dma_wait3A_45 = arith.constant 0 : i32
      %dma_wait3A_46 = tpu.memref_slice %arg2[%mul3A_32, %dma_wait3A_45] : memref<896x512xf32, #tpu.memory_space<hbm>> -> memref<56x512xf32, #tpu.memory_space<hbm>>
      tpu.wait_dma2 semaphore(%run_scoped3A : memref<!tpu.dma_semaphore, #tpu.memory_space<semaphore_mem>>) src(%dma_wait3A_46 : memref<56x512xf32, #tpu.memory_space<hbm>>) dst(%arg6 : memref<56x512xf32, #tpu.memory_space<vmem>>)
      tpu.yield
    }) : () -> ()
    %iota3A = tpu.iota {dimensions = array<i32: 0>} : vector<16xi32>
    %scan3A = arith.constant 0 : i32
    %scan3A_33 = arith.constant 0 : i32
    %scan3A_34 = arith.constant 56 : i32
    %scan3A_35 = arith.addi %scan3A_33, %scan3A_34 : i32
    %scan3A_36 = arith.constant 1 : i32
    %scan3A_37 = scf.for %scan3A_41 = %scan3A_33 to %scan3A_35 step %scan3A_36 iter_args(%scan3A_42 = %scan3A) -> (i32)  : i32 {
      %broadcast_in_dim3A = arith.constant 0.000000e+00 : f32
      %broadcast_in_dim3A_43 = vector.broadcast %broadcast_in_dim3A : f32 to vector<16xf32>
      %broadcast_in_dim3A_44 = arith.constant 0.000000e+00 : f32
      %broadcast_in_dim3A_45 = vector.broadcast %broadcast_in_dim3A_44 : f32 to vector<16xf32>
      %broadcast_in_dim3A_46 = arith.constant 0.000000e+00 : f32
      %broadcast_in_dim3A_47 = vector.broadcast %broadcast_in_dim3A_46 : f32 to vector<16xf32>
      %broadcast_in_dim3A_48 = arith.constant 0.000000e+00 : f32
      %broadcast_in_dim3A_49 = vector.broadcast %broadcast_in_dim3A_48 : f32 to vector<16xf32>
      %broadcast_in_dim3A_50 = arith.constant 0.000000e+00 : f32
      %broadcast_in_dim3A_51 = vector.broadcast %broadcast_in_dim3A_50 : f32 to vector<16xf32>
      %broadcast_in_dim3A_52 = arith.constant 0.000000e+00 : f32
      %broadcast_in_dim3A_53 = vector.broadcast %broadcast_in_dim3A_52 : f32 to vector<16xf32>
      %broadcast_in_dim3A_54 = arith.constant 0.000000e+00 : f32
      %broadcast_in_dim3A_55 = vector.broadcast %broadcast_in_dim3A_54 : f32 to vector<16xf32>
      %broadcast_in_dim3A_56 = arith.constant 0.000000e+00 : f32
      %broadcast_in_dim3A_57 = vector.broadcast %broadcast_in_dim3A_56 : f32 to vector<16xf32>
      %scan3A_58 = arith.constant 0 : i32
      %scan3A_59 = arith.constant 32 : i32
      %scan3A_60 = arith.addi %scan3A_58, %scan3A_59 : i32
      %scan3A_61 = arith.constant 1 : i32
      %scan3A_62:8 = scf.for %scan3A_104 = %scan3A_58 to %scan3A_60 step %scan3A_61 iter_args(%scan3A_105 = %broadcast_in_dim3A_43, %scan3A_106 = %broadcast_in_dim3A_45, %scan3A_107 = %broadcast_in_dim3A_47, %scan3A_108 = %broadcast_in_dim3A_49, %scan3A_109 = %broadcast_in_dim3A_51, %scan3A_110 = %broadcast_in_dim3A_53, %scan3A_111 = %broadcast_in_dim3A_55, %scan3A_112 = %broadcast_in_dim3A_57) -> (vector<16xf32>, vector<16xf32>, vector<16xf32>, vector<16xf32>, vector<16xf32>, vector<16xf32>, vector<16xf32>, vector<16xf32>)  : i32 {
        %mul3A_113 = arith.constant 16 : i32
        %mul3A_114 = arith.muli %scan3A_104, %mul3A_113 : i32
        %get3A = arith.index_cast %scan3A_41 : i32 to index
        %get3A_115 = arith.index_cast %mul3A_114 : i32 to index
        %get3A_116 = tpu.vector_load %arg6[%get3A, %get3A_115] {strides = array<i32>} : memref<56x512xf32, #tpu.memory_space<vmem>>, vector<1x16xf32>,
        %get3A_117 = vector.shape_cast %get3A_116 : vector<1x16xf32> to vector<16xf32>
        %scan3A_118 = arith.constant 0 : i32
        %mul3A_119 = arith.constant 0 : i32
        %mul3A_120 = vector.broadcast %mul3A_119 : i32 to vector<16xi32>
        %mul3A_121 = arith.muli %iota3A, %mul3A_120 : vector<16xi32>
        %add3A_122 = vector.broadcast %scan3A_118 : i32 to vector<16xi32>
        %add3A_123 = arith.addi %mul3A_121, %add3A_122 : vector<16xi32>
        %broadcast_in_dim3A_124 = vector.shape_cast %add3A_123 : vector<16xi32> to vector<16x1xi32>
        %gather3A = vector.shape_cast %broadcast_in_dim3A_124 : vector<16x1xi32> to vector<16xi32>
        %gather3A_125 = tpu.dynamic_gather %get3A_117[%gather3A] in [0] : vector<16xf32>, vector<16xi32> -> vector<16xf32>
        %mul3A_126 = arith.constant 16 : i32
        %mul3A_127 = arith.muli %scan3A_104, %mul3A_126 : i32
        %add3A_128 = arith.addi %mul3A_127, %scan3A_118 : i32
        %get3A_129 = arith.index_cast %add3A_128 : i32 to index
        %get3A_130 = arith.constant 0 : index
        %get3A_131 = tpu.vector_load %arg5[%get3A_129, %get3A_130] {strides = array<i32>} : memref<512x128xf32, #tpu.memory_space<vmem>>, vector<1x16xf32>,
        %get3A_132 = vector.shape_cast %get3A_131 : vector<1x16xf32> to vector<16xf32>
        %mul3A_133 = arith.mulf %gather3A_125, %get3A_132 : vector<16xf32>
        %add3A_134 = arith.addf %scan3A_105, %mul3A_133 : vector<16xf32>
        %get3A_135 = arith.index_cast %add3A_128 : i32 to index
        %get3A_136 = arith.constant 16 : index
        %get3A_137 = tpu.vector_load %arg5[%get3A_135, %get3A_136] {strides = array<i32>} : memref<512x128xf32, #tpu.memory_space<vmem>>, vector<1x16xf32>,
        %get3A_138 = vector.shape_cast %get3A_137 : vector<1x16xf32> to vector<16xf32>
        %mul3A_139 = arith.mulf %gather3A_125, %get3A_138 : vector<16xf32>
        %add3A_140 = arith.addf %scan3A_106, %mul3A_139 : vector<16xf32>
        %get3A_141 = arith.index_cast %add3A_128 : i32 to index
        %get3A_142 = arith.constant 32 : index
        %get3A_143 = tpu.vector_load %arg5[%get3A_141, %get3A_142] {strides = array<i32>} : memref<512x128xf32, #tpu.memory_space<vmem>>, vector<1x16xf32>,
        %get3A_144 = vector.shape_cast %get3A_143 : vector<1x16xf32> to vector<16xf32>
        %mul3A_145 = arith.mulf %gather3A_125, %get3A_144 : vector<16xf32>
        %add3A_146 = arith.addf %scan3A_107, %mul3A_145 : vector<16xf32>
        %get3A_147 = arith.index_cast %add3A_128 : i32 to index
        %get3A_148 = arith.constant 48 : index
        %get3A_149 = tpu.vector_load %arg5[%get3A_147, %get3A_148] {strides = array<i32>} : memref<512x128xf32, #tpu.memory_space<vmem>>, vector<1x16xf32>,
        %get3A_150 = vector.shape_cast %get3A_149 : vector<1x16xf32> to vector<16xf32>
        %mul3A_151 = arith.mulf %gather3A_125, %get3A_150 : vector<16xf32>
        %add3A_152 = arith.addf %scan3A_108, %mul3A_151 : vector<16xf32>
        %get3A_153 = arith.index_cast %add3A_128 : i32 to index
        %get3A_154 = arith.constant 64 : index
        %get3A_155 = tpu.vector_load %arg5[%get3A_153, %get3A_154] {strides = array<i32>} : memref<512x128xf32, #tpu.memory_space<vmem>>, vector<1x16xf32>,
        %get3A_156 = vector.shape_cast %get3A_155 : vector<1x16xf32> to vector<16xf32>
        %mul3A_157 = arith.mulf %gather3A_125, %get3A_156 : vector<16xf32>
        %add3A_158 = arith.addf %scan3A_109, %mul3A_157 : vector<16xf32>
        %get3A_159 = arith.index_cast %add3A_128 : i32 to index
        %get3A_160 = arith.constant 80 : index
        %get3A_161 = tpu.vector_load %arg5[%get3A_159, %get3A_160] {strides = array<i32>} : memref<512x128xf32, #tpu.memory_space<vmem>>, vector<1x16xf32>,
        %get3A_162 = vector.shape_cast %get3A_161 : vector<1x16xf32> to vector<16xf32>
        %mul3A_163 = arith.mulf %gather3A_125, %get3A_162 : vector<16xf32>
        %add3A_164 = arith.addf %scan3A_110, %mul3A_163 : vector<16xf32>
        %get3A_165 = arith.index_cast %add3A_128 : i32 to index
        %get3A_166 = arith.constant 96 : index
        %get3A_167 = tpu.vector_load %arg5[%get3A_165, %get3A_166] {strides = array<i32>} : memref<512x128xf32, #tpu.memory_space<vmem>>, vector<1x16xf32>,
        %get3A_168 = vector.shape_cast %get3A_167 : vector<1x16xf32> to vector<16xf32>
        %mul3A_169 = arith.mulf %gather3A_125, %get3A_168 : vector<16xf32>
        %add3A_170 = arith.addf %scan3A_111, %mul3A_169 : vector<16xf32>
        %get3A_171 = arith.index_cast %add3A_128 : i32 to index
        %get3A_172 = arith.constant 112 : index
        %get3A_173 = tpu.vector_load %arg5[%get3A_171, %get3A_172] {strides = array<i32>} : memref<512x128xf32, #tpu.memory_space<vmem>>, vector<1x16xf32>,
        %get3A_174 = vector.shape_cast %get3A_173 : vector<1x16xf32> to vector<16xf32>
        %mul3A_175 = arith.mulf %gather3A_125, %get3A_174 : vector<16xf32>
        %add3A_176 = arith.addf %scan3A_112, %mul3A_175 : vector<16xf32>
        %scan3A_177 = arith.constant 1 : i32
        %mul3A_178 = arith.constant 0 : i32
        %mul3A_179 = vector.broadcast %mul3A_178 : i32 to vector<16xi32>
        %mul3A_180 = arith.muli %iota3A, %mul3A_179 : vector<16xi32>
        %add3A_181 = vector.broadcast %scan3A_177 : i32 to vector<16xi32>
        %add3A_182 = arith.addi %mul3A_180, %add3A_181 : vector<16xi32>
        %broadcast_in_dim3A_183 = vector.shape_cast %add3A_182 : vector<16xi32> to vector<16x1xi32>
        %gather3A_184 = vector.shape_cast %broadcast_in_dim3A_183 : vector<16x1xi32> to vector<16xi32>
        %gather3A_185 = tpu.dynamic_gather %get3A_117[%gather3A_184] in [0] : vector<16xf32>, vector<16xi32> -> vector<16xf32>
        %mul3A_186 = arith.constant 16 : i32
        %mul3A_187 = arith.muli %scan3A_104, %mul3A_186 : i32
        %add3A_188 = arith.addi %mul3A_187, %scan3A_177 : i32
        %get3A_189 = arith.index_cast %add3A_188 : i32 to index
        %get3A_190 = arith.constant 0 : index
        %get3A_191 = tpu.vector_load %arg5[%get3A_189, %get3A_190] {strides = array<i32>} : memref<512x128xf32, #tpu.memory_space<vmem>>, vector<1x16xf32>,
        %get3A_192 = vector.shape_cast %get3A_191 : vector<1x16xf32> to vector<16xf32>
        %mul3A_193 = arith.mulf %gather3A_185, %get3A_192 : vector<16xf32>
        %add3A_194 = arith.addf %add3A_134, %mul3A_193 : vector<16xf32>
        %get3A_195 = arith.index_cast %add3A_188 : i32 to index
        %get3A_196 = arith.constant 16 : index
        %get3A_197 = tpu.vector_load %arg5[%get3A_195, %get3A_196] {strides = array<i32>} : memref<512x128xf32, #tpu.memory_space<vmem>>, vector<1x16xf32>,
        %get3A_198 = vector.shape_cast %get3A_197 : vector<1x16xf32> to vector<16xf32>
        %mul3A_199 = arith.mulf %gather3A_185, %get3A_198 : vector<16xf32>
        %add3A_200 = arith.addf %add3A_140, %mul3A_199 : vector<16xf32>
        %get3A_201 = arith.index_cast %add3A_188 : i32 to index
        %get3A_202 = arith.constant 32 : index
        %get3A_203 = tpu.vector_load %arg5[%get3A_201, %get3A_202] {strides = array<i32>} : memref<512x128xf32, #tpu.memory_space<vmem>>, vector<1x16xf32>,
        %get3A_204 = vector.shape_cast %get3A_203 : vector<1x16xf32> to vector<16xf32>
        %mul3A_205 = arith.mulf %gather3A_185, %get3A_204 : vector<16xf32>
        %add3A_206 = arith.addf %add3A_146, %mul3A_205 : vector<16xf32>
        %get3A_207 = arith.index_cast %add3A_188 : i32 to index
        %get3A_208 = arith.constant 48 : index
        %get3A_209 = tpu.vector_load %arg5[%get3A_207, %get3A_208] {strides = array<i32>} : memref<512x128xf32, #tpu.memory_space<vmem>>, vector<1x16xf32>,
        %get3A_210 = vector.shape_cast %get3A_209 : vector<1x16xf32> to vector<16xf32>
        %mul3A_211 = arith.mulf %gather3A_185, %get3A_210 : vector<16xf32>
        %add3A_212 = arith.addf %add3A_152, %mul3A_211 : vector<16xf32>
        %get3A_213 = arith.index_cast %add3A_188 : i32 to index
        %get3A_214 = arith.constant 64 : index
        %get3A_215 = tpu.vector_load %arg5[%get3A_213, %get3A_214] {strides = array<i32>} : memref<512x128xf32, #tpu.memory_space<vmem>>, vector<1x16xf32>,
        %get3A_216 = vector.shape_cast %get3A_215 : vector<1x16xf32> to vector<16xf32>
        %mul3A_217 = arith.mulf %gather3A_185, %get3A_216 : vector<16xf32>
        %add3A_218 = arith.addf %add3A_158, %mul3A_217 : vector<16xf32>
        %get3A_219 = arith.index_cast %add3A_188 : i32 to index
        %get3A_220 = arith.constant 80 : index
        %get3A_221 = tpu.vector_load %arg5[%get3A_219, %get3A_220] {strides = array<i32>} : memref<512x128xf32, #tpu.memory_space<vmem>>, vector<1x16xf32>,
        %get3A_222 = vector.shape_cast %get3A_221 : vector<1x16xf32> to vector<16xf32>
        %mul3A_223 = arith.mulf %gather3A_185, %get3A_222 : vector<16xf32>
        %add3A_224 = arith.addf %add3A_164, %mul3A_223 : vector<16xf32>
        %get3A_225 = arith.index_cast %add3A_188 : i32 to index
        %get3A_226 = arith.constant 96 : index
        %get3A_227 = tpu.vector_load %arg5[%get3A_225, %get3A_226] {strides = array<i32>} : memref<512x128xf32, #tpu.memory_space<vmem>>, vector<1x16xf32>,
        %get3A_228 = vector.shape_cast %get3A_227 : vector<1x16xf32> to vector<16xf32>
        %mul3A_229 = arith.mulf %gather3A_185, %get3A_228 : vector<16xf32>
        %add3A_230 = arith.addf %add3A_170, %mul3A_229 : vector<16xf32>
        %get3A_231 = arith.index_cast %add3A_188 : i32 to index
        %get3A_232 = arith.constant 112 : index
        %get3A_233 = tpu.vector_load %arg5[%get3A_231, %get3A_232] {strides = array<i32>} : memref<512x128xf32, #tpu.memory_space<vmem>>, vector<1x16xf32>,
        %get3A_234 = vector.shape_cast %get3A_233 : vector<1x16xf32> to vector<16xf32>
        %mul3A_235 = arith.mulf %gather3A_185, %get3A_234 : vector<16xf32>
        %add3A_236 = arith.addf %add3A_176, %mul3A_235 : vector<16xf32>
        %scan3A_237 = arith.constant 2 : i32
        %mul3A_238 = arith.constant 0 : i32
        %mul3A_239 = vector.broadcast %mul3A_238 : i32 to vector<16xi32>
        %mul3A_240 = arith.muli %iota3A, %mul3A_239 : vector<16xi32>
        %add3A_241 = vector.broadcast %scan3A_237 : i32 to vector<16xi32>
        %add3A_242 = arith.addi %mul3A_240, %add3A_241 : vector<16xi32>
        %broadcast_in_dim3A_243 = vector.shape_cast %add3A_242 : vector<16xi32> to vector<16x1xi32>
        %gather3A_244 = vector.shape_cast %broadcast_in_dim3A_243 : vector<16x1xi32> to vector<16xi32>
        %gather3A_245 = tpu.dynamic_gather %get3A_117[%gather3A_244] in [0] : vector<16xf32>, vector<16xi32> -> vector<16xf32>
        %mul3A_246 = arith.constant 16 : i32
        %mul3A_247 = arith.muli %scan3A_104, %mul3A_246 : i32
        %add3A_248 = arith.addi %mul3A_247, %scan3A_237 : i32
        %get3A_249 = arith.index_cast %add3A_248 : i32 to index
        %get3A_250 = arith.constant 0 : index
        %get3A_251 = tpu.vector_load %arg5[%get3A_249, %get3A_250] {strides = array<i32>} : memref<512x128xf32, #tpu.memory_space<vmem>>, vector<1x16xf32>,
        %get3A_252 = vector.shape_cast %get3A_251 : vector<1x16xf32> to vector<16xf32>
        %mul3A_253 = arith.mulf %gather3A_245, %get3A_252 : vector<16xf32>
        %add3A_254 = arith.addf %add3A_194, %mul3A_253 : vector<16xf32>
        %get3A_255 = arith.index_cast %add3A_248 : i32 to index
        %get3A_256 = arith.constant 16 : index
        %get3A_257 = tpu.vector_load %arg5[%get3A_255, %get3A_256] {strides = array<i32>} : memref<512x128xf32, #tpu.memory_space<vmem>>, vector<1x16xf32>,
        %get3A_258 = vector.shape_cast %get3A_257 : vector<1x16xf32> to vector<16xf32>
        %mul3A_259 = arith.mulf %gather3A_245, %get3A_258 : vector<16xf32>
        %add3A_260 = arith.addf %add3A_200, %mul3A_259 : vector<16xf32>
        %get3A_261 = arith.index_cast %add3A_248 : i32 to index
        %get3A_262 = arith.constant 32 : index
        %get3A_263 = tpu.vector_load %arg5[%get3A_261, %get3A_262] {strides = array<i32>} : memref<512x128xf32, #tpu.memory_space<vmem>>, vector<1x16xf32>,
        %get3A_264 = vector.shape_cast %get3A_263 : vector<1x16xf32> to vector<16xf32>
        %mul3A_265 = arith.mulf %gather3A_245, %get3A_264 : vector<16xf32>
        %add3A_266 = arith.addf %add3A_206, %mul3A_265 : vector<16xf32>
        %get3A_267 = arith.index_cast %add3A_248 : i32 to index
        %get3A_268 = arith.constant 48 : index
        %get3A_269 = tpu.vector_load %arg5[%get3A_267, %get3A_268] {strides = array<i32>} : memref<512x128xf32, #tpu.memory_space<vmem>>, vector<1x16xf32>,
        %get3A_270 = vector.shape_cast %get3A_269 : vector<1x16xf32> to vector<16xf32>
        %mul3A_271 = arith.mulf %gather3A_245, %get3A_270 : vector<16xf32>
        %add3A_272 = arith.addf %add3A_212, %mul3A_271 : vector<16xf32>
        %get3A_273 = arith.index_cast %add3A_248 : i32 to index
        %get3A_274 = arith.constant 64 : index
        %get3A_275 = tpu.vector_load %arg5[%get3A_273, %get3A_274] {strides = array<i32>} : memref<512x128xf32, #tpu.memory_space<vmem>>, vector<1x16xf32>,
        %get3A_276 = vector.shape_cast %get3A_275 : vector<1x16xf32> to vector<16xf32>
        %mul3A_277 = arith.mulf %gather3A_245, %get3A_276 : vector<16xf32>
        %add3A_278 = arith.addf %add3A_218, %mul3A_277 : vector<16xf32>
        %get3A_279 = arith.index_cast %add3A_248 : i32 to index
        %get3A_280 = arith.constant 80 : index
        %get3A_281 = tpu.vector_load %arg5[%get3A_279, %get3A_280] {strides = array<i32>} : memref<512x128xf32, #tpu.memory_space<vmem>>, vector<1x16xf32>,
        %get3A_282 = vector.shape_cast %get3A_281 : vector<1x16xf32> to vector<16xf32>
        %mul3A_283 = arith.mulf %gather3A_245, %get3A_282 : vector<16xf32>
        %add3A_284 = arith.addf %add3A_224, %mul3A_283 : vector<16xf32>
        %get3A_285 = arith.index_cast %add3A_248 : i32 to index
        %get3A_286 = arith.constant 96 : index
        %get3A_287 = tpu.vector_load %arg5[%get3A_285, %get3A_286] {strides = array<i32>} : memref<512x128xf32, #tpu.memory_space<vmem>>, vector<1x16xf32>,
        %get3A_288 = vector.shape_cast %get3A_287 : vector<1x16xf32> to vector<16xf32>
        %mul3A_289 = arith.mulf %gather3A_245, %get3A_288 : vector<16xf32>
        %add3A_290 = arith.addf %add3A_230, %mul3A_289 : vector<16xf32>
        %get3A_291 = arith.index_cast %add3A_248 : i32 to index
        %get3A_292 = arith.constant 112 : index
        %get3A_293 = tpu.vector_load %arg5[%get3A_291, %get3A_292] {strides = array<i32>} : memref<512x128xf32, #tpu.memory_space<vmem>>, vector<1x16xf32>,
        %get3A_294 = vector.shape_cast %get3A_293 : vector<1x16xf32> to vector<16xf32>
        %mul3A_295 = arith.mulf %gather3A_245, %get3A_294 : vector<16xf32>
        %add3A_296 = arith.addf %add3A_236, %mul3A_295 : vector<16xf32>
        %scan3A_297 = arith.constant 3 : i32
        %mul3A_298 = arith.constant 0 : i32
        %mul3A_299 = vector.broadcast %mul3A_298 : i32 to vector<16xi32>
        %mul3A_300 = arith.muli %iota3A, %mul3A_299 : vector<16xi32>
        %add3A_301 = vector.broadcast %scan3A_297 : i32 to vector<16xi32>
        %add3A_302 = arith.addi %mul3A_300, %add3A_301 : vector<16xi32>
        %broadcast_in_dim3A_303 = vector.shape_cast %add3A_302 : vector<16xi32> to vector<16x1xi32>
        %gather3A_304 = vector.shape_cast %broadcast_in_dim3A_303 : vector<16x1xi32> to vector<16xi32>
        %gather3A_305 = tpu.dynamic_gather %get3A_117[%gather3A_304] in [0] : vector<16xf32>, vector<16xi32> -> vector<16xf32>
        %mul3A_306 = arith.constant 16 : i32
        %mul3A_307 = arith.muli %scan3A_104, %mul3A_306 : i32
        %add3A_308 = arith.addi %mul3A_307, %scan3A_297 : i32
        %get3A_309 = arith.index_cast %add3A_308 : i32 to index
        %get3A_310 = arith.constant 0 : index
        %get3A_311 = tpu.vector_load %arg5[%get3A_309, %get3A_310] {strides = array<i32>} : memref<512x128xf32, #tpu.memory_space<vmem>>, vector<1x16xf32>,
        %get3A_312 = vector.shape_cast %get3A_311 : vector<1x16xf32> to vector<16xf32>
        %mul3A_313 = arith.mulf %gather3A_305, %get3A_312 : vector<16xf32>
        %add3A_314 = arith.addf %add3A_254, %mul3A_313 : vector<16xf32>
        %get3A_315 = arith.index_cast %add3A_308 : i32 to index
        %get3A_316 = arith.constant 16 : index
        %get3A_317 = tpu.vector_load %arg5[%get3A_315, %get3A_316] {strides = array<i32>} : memref<512x128xf32, #tpu.memory_space<vmem>>, vector<1x16xf32>,
        %get3A_318 = vector.shape_cast %get3A_317 : vector<1x16xf32> to vector<16xf32>
        %mul3A_319 = arith.mulf %gather3A_305, %get3A_318 : vector<16xf32>
        %add3A_320 = arith.addf %add3A_260, %mul3A_319 : vector<16xf32>
        %get3A_321 = arith.index_cast %add3A_308 : i32 to index
        %get3A_322 = arith.constant 32 : index
        %get3A_323 = tpu.vector_load %arg5[%get3A_321, %get3A_322] {strides = array<i32>} : memref<512x128xf32, #tpu.memory_space<vmem>>, vector<1x16xf32>,
        %get3A_324 = vector.shape_cast %get3A_323 : vector<1x16xf32> to vector<16xf32>
        %mul3A_325 = arith.mulf %gather3A_305, %get3A_324 : vector<16xf32>
        %add3A_326 = arith.addf %add3A_266, %mul3A_325 : vector<16xf32>
        %get3A_327 = arith.index_cast %add3A_308 : i32 to index
        %get3A_328 = arith.constant 48 : index
        %get3A_329 = tpu.vector_load %arg5[%get3A_327, %get3A_328] {strides = array<i32>} : memref<512x128xf32, #tpu.memory_space<vmem>>, vector<1x16xf32>,
        %get3A_330 = vector.shape_cast %get3A_329 : vector<1x16xf32> to vector<16xf32>
        %mul3A_331 = arith.mulf %gather3A_305, %get3A_330 : vector<16xf32>
        %add3A_332 = arith.addf %add3A_272, %mul3A_331 : vector<16xf32>
        %get3A_333 = arith.index_cast %add3A_308 : i32 to index
        %get3A_334 = arith.constant 64 : index
        %get3A_335 = tpu.vector_load %arg5[%get3A_333, %get3A_334] {strides = array<i32>} : memref<512x128xf32, #tpu.memory_space<vmem>>, vector<1x16xf32>,
        %get3A_336 = vector.shape_cast %get3A_335 : vector<1x16xf32> to vector<16xf32>
        %mul3A_337 = arith.mulf %gather3A_305, %get3A_336 : vector<16xf32>
        %add3A_338 = arith.addf %add3A_278, %mul3A_337 : vector<16xf32>
        %get3A_339 = arith.index_cast %add3A_308 : i32 to index
        %get3A_340 = arith.constant 80 : index
        %get3A_341 = tpu.vector_load %arg5[%get3A_339, %get3A_340] {strides = array<i32>} : memref<512x128xf32, #tpu.memory_space<vmem>>, vector<1x16xf32>,
        %get3A_342 = vector.shape_cast %get3A_341 : vector<1x16xf32> to vector<16xf32>
        %mul3A_343 = arith.mulf %gather3A_305, %get3A_342 : vector<16xf32>
        %add3A_344 = arith.addf %add3A_284, %mul3A_343 : vector<16xf32>
        %get3A_345 = arith.index_cast %add3A_308 : i32 to index
        %get3A_346 = arith.constant 96 : index
        %get3A_347 = tpu.vector_load %arg5[%get3A_345, %get3A_346] {strides = array<i32>} : memref<512x128xf32, #tpu.memory_space<vmem>>, vector<1x16xf32>,
        %get3A_348 = vector.shape_cast %get3A_347 : vector<1x16xf32> to vector<16xf32>
        %mul3A_349 = arith.mulf %gather3A_305, %get3A_348 : vector<16xf32>
        %add3A_350 = arith.addf %add3A_290, %mul3A_349 : vector<16xf32>
        %get3A_351 = arith.index_cast %add3A_308 : i32 to index
        %get3A_352 = arith.constant 112 : index
        %get3A_353 = tpu.vector_load %arg5[%get3A_351, %get3A_352] {strides = array<i32>} : memref<512x128xf32, #tpu.memory_space<vmem>>, vector<1x16xf32>,
        %get3A_354 = vector.shape_cast %get3A_353 : vector<1x16xf32> to vector<16xf32>
        %mul3A_355 = arith.mulf %gather3A_305, %get3A_354 : vector<16xf32>
        %add3A_356 = arith.addf %add3A_296, %mul3A_355 : vector<16xf32>
        %scan3A_357 = arith.constant 4 : i32
        %mul3A_358 = arith.constant 0 : i32
        %mul3A_359 = vector.broadcast %mul3A_358 : i32 to vector<16xi32>
        %mul3A_360 = arith.muli %iota3A, %mul3A_359 : vector<16xi32>
        %add3A_361 = vector.broadcast %scan3A_357 : i32 to vector<16xi32>
        %add3A_362 = arith.addi %mul3A_360, %add3A_361 : vector<16xi32>
        %broadcast_in_dim3A_363 = vector.shape_cast %add3A_362 : vector<16xi32> to vector<16x1xi32>
        %gather3A_364 = vector.shape_cast %broadcast_in_dim3A_363 : vector<16x1xi32> to vector<16xi32>
        %gather3A_365 = tpu.dynamic_gather %get3A_117[%gather3A_364] in [0] : vector<16xf32>, vector<16xi32> -> vector<16xf32>
        %mul3A_366 = arith.constant 16 : i32
        %mul3A_367 = arith.muli %scan3A_104, %mul3A_366 : i32
        %add3A_368 = arith.addi %mul3A_367, %scan3A_357 : i32
        %get3A_369 = arith.index_cast %add3A_368 : i32 to index
        %get3A_370 = arith.constant 0 : index
        %get3A_371 = tpu.vector_load %arg5[%get3A_369, %get3A_370] {strides = array<i32>} : memref<512x128xf32, #tpu.memory_space<vmem>>, vector<1x16xf32>,
        %get3A_372 = vector.shape_cast %get3A_371 : vector<1x16xf32> to vector<16xf32>
        %mul3A_373 = arith.mulf %gather3A_365, %get3A_372 : vector<16xf32>
        %add3A_374 = arith.addf %add3A_314, %mul3A_373 : vector<16xf32>
        %get3A_375 = arith.index_cast %add3A_368 : i32 to index
        %get3A_376 = arith.constant 16 : index
        %get3A_377 = tpu.vector_load %arg5[%get3A_375, %get3A_376] {strides = array<i32>} : memref<512x128xf32, #tpu.memory_space<vmem>>, vector<1x16xf32>,
        %get3A_378 = vector.shape_cast %get3A_377 : vector<1x16xf32> to vector<16xf32>
        %mul3A_379 = arith.mulf %gather3A_365, %get3A_378 : vector<16xf32>
        %add3A_380 = arith.addf %add3A_320, %mul3A_379 : vector<16xf32>
        %get3A_381 = arith.index_cast %add3A_368 : i32 to index
        %get3A_382 = arith.constant 32 : index
        %get3A_383 = tpu.vector_load %arg5[%get3A_381, %get3A_382] {strides = array<i32>} : memref<512x128xf32, #tpu.memory_space<vmem>>, vector<1x16xf32>,
        %get3A_384 = vector.shape_cast %get3A_383 : vector<1x16xf32> to vector<16xf32>
        %mul3A_385 = arith.mulf %gather3A_365, %get3A_384 : vector<16xf32>
        %add3A_386 = arith.addf %add3A_326, %mul3A_385 : vector<16xf32>
        %get3A_387 = arith.index_cast %add3A_368 : i32 to index
        %get3A_388 = arith.constant 48 : index
        %get3A_389 = tpu.vector_load %arg5[%get3A_387, %get3A_388] {strides = array<i32>} : memref<512x128xf32, #tpu.memory_space<vmem>>, vector<1x16xf32>,
        %get3A_390 = vector.shape_cast %get3A_389 : vector<1x16xf32> to vector<16xf32>
        %mul3A_391 = arith.mulf %gather3A_365, %get3A_390 : vector<16xf32>
        %add3A_392 = arith.addf %add3A_332, %mul3A_391 : vector<16xf32>
        %get3A_393 = arith.index_cast %add3A_368 : i32 to index
        %get3A_394 = arith.constant 64 : index
        %get3A_395 = tpu.vector_load %arg5[%get3A_393, %get3A_394] {strides = array<i32>} : memref<512x128xf32, #tpu.memory_space<vmem>>, vector<1x16xf32>,
        %get3A_396 = vector.shape_cast %get3A_395 : vector<1x16xf32> to vector<16xf32>
        %mul3A_397 = arith.mulf %gather3A_365, %get3A_396 : vector<16xf32>
        %add3A_398 = arith.addf %add3A_338, %mul3A_397 : vector<16xf32>
        %get3A_399 = arith.index_cast %add3A_368 : i32 to index
        %get3A_400 = arith.constant 80 : index
        %get3A_401 = tpu.vector_load %arg5[%get3A_399, %get3A_400] {strides = array<i32>} : memref<512x128xf32, #tpu.memory_space<vmem>>, vector<1x16xf32>,
        %get3A_402 = vector.shape_cast %get3A_401 : vector<1x16xf32> to vector<16xf32>
        %mul3A_403 = arith.mulf %gather3A_365, %get3A_402 : vector<16xf32>
        %add3A_404 = arith.addf %add3A_344, %mul3A_403 : vector<16xf32>
        %get3A_405 = arith.index_cast %add3A_368 : i32 to index
        %get3A_406 = arith.constant 96 : index
        %get3A_407 = tpu.vector_load %arg5[%get3A_405, %get3A_406] {strides = array<i32>} : memref<512x128xf32, #tpu.memory_space<vmem>>, vector<1x16xf32>,
        %get3A_408 = vector.shape_cast %get3A_407 : vector<1x16xf32> to vector<16xf32>
        %mul3A_409 = arith.mulf %gather3A_365, %get3A_408 : vector<16xf32>
        %add3A_410 = arith.addf %add3A_350, %mul3A_409 : vector<16xf32>
        %get3A_411 = arith.index_cast %add3A_368 : i32 to index
        %get3A_412 = arith.constant 112 : index
        %get3A_413 = tpu.vector_load %arg5[%get3A_411, %get3A_412] {strides = array<i32>} : memref<512x128xf32, #tpu.memory_space<vmem>>, vector<1x16xf32>,
        %get3A_414 = vector.shape_cast %get3A_413 : vector<1x16xf32> to vector<16xf32>
        %mul3A_415 = arith.mulf %gather3A_365, %get3A_414 : vector<16xf32>
        %add3A_416 = arith.addf %add3A_356, %mul3A_415 : vector<16xf32>
        %scan3A_417 = arith.constant 5 : i32
        %mul3A_418 = arith.constant 0 : i32
        %mul3A_419 = vector.broadcast %mul3A_418 : i32 to vector<16xi32>
        %mul3A_420 = arith.muli %iota3A, %mul3A_419 : vector<16xi32>
        %add3A_421 = vector.broadcast %scan3A_417 : i32 to vector<16xi32>
        %add3A_422 = arith.addi %mul3A_420, %add3A_421 : vector<16xi32>
        %broadcast_in_dim3A_423 = vector.shape_cast %add3A_422 : vector<16xi32> to vector<16x1xi32>
        %gather3A_424 = vector.shape_cast %broadcast_in_dim3A_423 : vector<16x1xi32> to vector<16xi32>
        %gather3A_425 = tpu.dynamic_gather %get3A_117[%gather3A_424] in [0] : vector<16xf32>, vector<16xi32> -> vector<16xf32>
        %mul3A_426 = arith.constant 16 : i32
        %mul3A_427 = arith.muli %scan3A_104, %mul3A_426 : i32
        %add3A_428 = arith.addi %mul3A_427, %scan3A_417 : i32
        %get3A_429 = arith.index_cast %add3A_428 : i32 to index
        %get3A_430 = arith.constant 0 : index
        %get3A_431 = tpu.vector_load %arg5[%get3A_429, %get3A_430] {strides = array<i32>} : memref<512x128xf32, #tpu.memory_space<vmem>>, vector<1x16xf32>,
        %get3A_432 = vector.shape_cast %get3A_431 : vector<1x16xf32> to vector<16xf32>
        %mul3A_433 = arith.mulf %gather3A_425, %get3A_432 : vector<16xf32>
        %add3A_434 = arith.addf %add3A_374, %mul3A_433 : vector<16xf32>
        %get3A_435 = arith.index_cast %add3A_428 : i32 to index
        %get3A_436 = arith.constant 16 : index
        %get3A_437 = tpu.vector_load %arg5[%get3A_435, %get3A_436] {strides = array<i32>} : memref<512x128xf32, #tpu.memory_space<vmem>>, vector<1x16xf32>,
        %get3A_438 = vector.shape_cast %get3A_437 : vector<1x16xf32> to vector<16xf32>
        %mul3A_439 = arith.mulf %gather3A_425, %get3A_438 : vector<16xf32>
        %add3A_440 = arith.addf %add3A_380, %mul3A_439 : vector<16xf32>
        %get3A_441 = arith.index_cast %add3A_428 : i32 to index
        %get3A_442 = arith.constant 32 : index
        %get3A_443 = tpu.vector_load %arg5[%get3A_441, %get3A_442] {strides = array<i32>} : memref<512x128xf32, #tpu.memory_space<vmem>>, vector<1x16xf32>,
        %get3A_444 = vector.shape_cast %get3A_443 : vector<1x16xf32> to vector<16xf32>
        %mul3A_445 = arith.mulf %gather3A_425, %get3A_444 : vector<16xf32>
        %add3A_446 = arith.addf %add3A_386, %mul3A_445 : vector<16xf32>
        %get3A_447 = arith.index_cast %add3A_428 : i32 to index
        %get3A_448 = arith.constant 48 : index
        %get3A_449 = tpu.vector_load %arg5[%get3A_447, %get3A_448] {strides = array<i32>} : memref<512x128xf32, #tpu.memory_space<vmem>>, vector<1x16xf32>,
        %get3A_450 = vector.shape_cast %get3A_449 : vector<1x16xf32> to vector<16xf32>
        %mul3A_451 = arith.mulf %gather3A_425, %get3A_450 : vector<16xf32>
        %add3A_452 = arith.addf %add3A_392, %mul3A_451 : vector<16xf32>
        %get3A_453 = arith.index_cast %add3A_428 : i32 to index
        %get3A_454 = arith.constant 64 : index
        %get3A_455 = tpu.vector_load %arg5[%get3A_453, %get3A_454] {strides = array<i32>} : memref<512x128xf32, #tpu.memory_space<vmem>>, vector<1x16xf32>,
        %get3A_456 = vector.shape_cast %get3A_455 : vector<1x16xf32> to vector<16xf32>
        %mul3A_457 = arith.mulf %gather3A_425, %get3A_456 : vector<16xf32>
        %add3A_458 = arith.addf %add3A_398, %mul3A_457 : vector<16xf32>
        %get3A_459 = arith.index_cast %add3A_428 : i32 to index
        %get3A_460 = arith.constant 80 : index
        %get3A_461 = tpu.vector_load %arg5[%get3A_459, %get3A_460] {strides = array<i32>} : memref<512x128xf32, #tpu.memory_space<vmem>>, vector<1x16xf32>,
        %get3A_462 = vector.shape_cast %get3A_461 : vector<1x16xf32> to vector<16xf32>
        %mul3A_463 = arith.mulf %gather3A_425, %get3A_462 : vector<16xf32>
        %add3A_464 = arith.addf %add3A_404, %mul3A_463 : vector<16xf32>
        %get3A_465 = arith.index_cast %add3A_428 : i32 to index
        %get3A_466 = arith.constant 96 : index
        %get3A_467 = tpu.vector_load %arg5[%get3A_465, %get3A_466] {strides = array<i32>} : memref<512x128xf32, #tpu.memory_space<vmem>>, vector<1x16xf32>,
        %get3A_468 = vector.shape_cast %get3A_467 : vector<1x16xf32> to vector<16xf32>
        %mul3A_469 = arith.mulf %gather3A_425, %get3A_468 : vector<16xf32>
        %add3A_470 = arith.addf %add3A_410, %mul3A_469 : vector<16xf32>
        %get3A_471 = arith.index_cast %add3A_428 : i32 to index
        %get3A_472 = arith.constant 112 : index
        %get3A_473 = tpu.vector_load %arg5[%get3A_471, %get3A_472] {strides = array<i32>} : memref<512x128xf32, #tpu.memory_space<vmem>>, vector<1x16xf32>,
        %get3A_474 = vector.shape_cast %get3A_473 : vector<1x16xf32> to vector<16xf32>
        %mul3A_475 = arith.mulf %gather3A_425, %get3A_474 : vector<16xf32>
        %add3A_476 = arith.addf %add3A_416, %mul3A_475 : vector<16xf32>
        %scan3A_477 = arith.constant 6 : i32
        %mul3A_478 = arith.constant 0 : i32
        %mul3A_479 = vector.broadcast %mul3A_478 : i32 to vector<16xi32>
        %mul3A_480 = arith.muli %iota3A, %mul3A_479 : vector<16xi32>
        %add3A_481 = vector.broadcast %scan3A_477 : i32 to vector<16xi32>
        %add3A_482 = arith.addi %mul3A_480, %add3A_481 : vector<16xi32>
        %broadcast_in_dim3A_483 = vector.shape_cast %add3A_482 : vector<16xi32> to vector<16x1xi32>
        %gather3A_484 = vector.shape_cast %broadcast_in_dim3A_483 : vector<16x1xi32> to vector<16xi32>
        %gather3A_485 = tpu.dynamic_gather %get3A_117[%gather3A_484] in [0] : vector<16xf32>, vector<16xi32> -> vector<16xf32>
        %mul3A_486 = arith.constant 16 : i32
        %mul3A_487 = arith.muli %scan3A_104, %mul3A_486 : i32
        %add3A_488 = arith.addi %mul3A_487, %scan3A_477 : i32
        %get3A_489 = arith.index_cast %add3A_488 : i32 to index
        %get3A_490 = arith.constant 0 : index
        %get3A_491 = tpu.vector_load %arg5[%get3A_489, %get3A_490] {strides = array<i32>} : memref<512x128xf32, #tpu.memory_space<vmem>>, vector<1x16xf32>,
        %get3A_492 = vector.shape_cast %get3A_491 : vector<1x16xf32> to vector<16xf32>
        %mul3A_493 = arith.mulf %gather3A_485, %get3A_492 : vector<16xf32>
        %add3A_494 = arith.addf %add3A_434, %mul3A_493 : vector<16xf32>
        %get3A_495 = arith.index_cast %add3A_488 : i32 to index
        %get3A_496 = arith.constant 16 : index
        %get3A_497 = tpu.vector_load %arg5[%get3A_495, %get3A_496] {strides = array<i32>} : memref<512x128xf32, #tpu.memory_space<vmem>>, vector<1x16xf32>,
        %get3A_498 = vector.shape_cast %get3A_497 : vector<1x16xf32> to vector<16xf32>
        %mul3A_499 = arith.mulf %gather3A_485, %get3A_498 : vector<16xf32>
        %add3A_500 = arith.addf %add3A_440, %mul3A_499 : vector<16xf32>
        %get3A_501 = arith.index_cast %add3A_488 : i32 to index
        %get3A_502 = arith.constant 32 : index
        %get3A_503 = tpu.vector_load %arg5[%get3A_501, %get3A_502] {strides = array<i32>} : memref<512x128xf32, #tpu.memory_space<vmem>>, vector<1x16xf32>,
        %get3A_504 = vector.shape_cast %get3A_503 : vector<1x16xf32> to vector<16xf32>
        %mul3A_505 = arith.mulf %gather3A_485, %get3A_504 : vector<16xf32>
        %add3A_506 = arith.addf %add3A_446, %mul3A_505 : vector<16xf32>
        %get3A_507 = arith.index_cast %add3A_488 : i32 to index
        %get3A_508 = arith.constant 48 : index
        %get3A_509 = tpu.vector_load %arg5[%get3A_507, %get3A_508] {strides = array<i32>} : memref<512x128xf32, #tpu.memory_space<vmem>>, vector<1x16xf32>,
        %get3A_510 = vector.shape_cast %get3A_509 : vector<1x16xf32> to vector<16xf32>
        %mul3A_511 = arith.mulf %gather3A_485, %get3A_510 : vector<16xf32>
        %add3A_512 = arith.addf %add3A_452, %mul3A_511 : vector<16xf32>
        %get3A_513 = arith.index_cast %add3A_488 : i32 to index
        %get3A_514 = arith.constant 64 : index
        %get3A_515 = tpu.vector_load %arg5[%get3A_513, %get3A_514] {strides = array<i32>} : memref<512x128xf32, #tpu.memory_space<vmem>>, vector<1x16xf32>,
        %get3A_516 = vector.shape_cast %get3A_515 : vector<1x16xf32> to vector<16xf32>
        %mul3A_517 = arith.mulf %gather3A_485, %get3A_516 : vector<16xf32>
        %add3A_518 = arith.addf %add3A_458, %mul3A_517 : vector<16xf32>
        %get3A_519 = arith.index_cast %add3A_488 : i32 to index
        %get3A_520 = arith.constant 80 : index
        %get3A_521 = tpu.vector_load %arg5[%get3A_519, %get3A_520] {strides = array<i32>} : memref<512x128xf32, #tpu.memory_space<vmem>>, vector<1x16xf32>,
        %get3A_522 = vector.shape_cast %get3A_521 : vector<1x16xf32> to vector<16xf32>
        %mul3A_523 = arith.mulf %gather3A_485, %get3A_522 : vector<16xf32>
        %add3A_524 = arith.addf %add3A_464, %mul3A_523 : vector<16xf32>
        %get3A_525 = arith.index_cast %add3A_488 : i32 to index
        %get3A_526 = arith.constant 96 : index
        %get3A_527 = tpu.vector_load %arg5[%get3A_525, %get3A_526] {strides = array<i32>} : memref<512x128xf32, #tpu.memory_space<vmem>>, vector<1x16xf32>,
        %get3A_528 = vector.shape_cast %get3A_527 : vector<1x16xf32> to vector<16xf32>
        %mul3A_529 = arith.mulf %gather3A_485, %get3A_528 : vector<16xf32>
        %add3A_530 = arith.addf %add3A_470, %mul3A_529 : vector<16xf32>
        %get3A_531 = arith.index_cast %add3A_488 : i32 to index
        %get3A_532 = arith.constant 112 : index
        %get3A_533 = tpu.vector_load %arg5[%get3A_531, %get3A_532] {strides = array<i32>} : memref<512x128xf32, #tpu.memory_space<vmem>>, vector<1x16xf32>,
        %get3A_534 = vector.shape_cast %get3A_533 : vector<1x16xf32> to vector<16xf32>
        %mul3A_535 = arith.mulf %gather3A_485, %get3A_534 : vector<16xf32>
        %add3A_536 = arith.addf %add3A_476, %mul3A_535 : vector<16xf32>
        %scan3A_537 = arith.constant 7 : i32
        %mul3A_538 = arith.constant 0 : i32
        %mul3A_539 = vector.broadcast %mul3A_538 : i32 to vector<16xi32>
        %mul3A_540 = arith.muli %iota3A, %mul3A_539 : vector<16xi32>
        %add3A_541 = vector.broadcast %scan3A_537 : i32 to vector<16xi32>
        %add3A_542 = arith.addi %mul3A_540, %add3A_541 : vector<16xi32>
        %broadcast_in_dim3A_543 = vector.shape_cast %add3A_542 : vector<16xi32> to vector<16x1xi32>
        %gather3A_544 = vector.shape_cast %broadcast_in_dim3A_543 : vector<16x1xi32> to vector<16xi32>
        %gather3A_545 = tpu.dynamic_gather %get3A_117[%gather3A_544] in [0] : vector<16xf32>, vector<16xi32> -> vector<16xf32>
        %mul3A_546 = arith.constant 16 : i32
        %mul3A_547 = arith.muli %scan3A_104, %mul3A_546 : i32
        %add3A_548 = arith.addi %mul3A_547, %scan3A_537 : i32
        %get3A_549 = arith.index_cast %add3A_548 : i32 to index
        %get3A_550 = arith.constant 0 : index
        %get3A_551 = tpu.vector_load %arg5[%get3A_549, %get3A_550] {strides = array<i32>} : memref<512x128xf32, #tpu.memory_space<vmem>>, vector<1x16xf32>,
        %get3A_552 = vector.shape_cast %get3A_551 : vector<1x16xf32> to vector<16xf32>
        %mul3A_553 = arith.mulf %gather3A_545, %get3A_552 : vector<16xf32>
        %add3A_554 = arith.addf %add3A_494, %mul3A_553 : vector<16xf32>
        %get3A_555 = arith.index_cast %add3A_548 : i32 to index
        %get3A_556 = arith.constant 16 : index
        %get3A_557 = tpu.vector_load %arg5[%get3A_555, %get3A_556] {strides = array<i32>} : memref<512x128xf32, #tpu.memory_space<vmem>>, vector<1x16xf32>,
        %get3A_558 = vector.shape_cast %get3A_557 : vector<1x16xf32> to vector<16xf32>
        %mul3A_559 = arith.mulf %gather3A_545, %get3A_558 : vector<16xf32>
        %add3A_560 = arith.addf %add3A_500, %mul3A_559 : vector<16xf32>
        %get3A_561 = arith.index_cast %add3A_548 : i32 to index
        %get3A_562 = arith.constant 32 : index
        %get3A_563 = tpu.vector_load %arg5[%get3A_561, %get3A_562] {strides = array<i32>} : memref<512x128xf32, #tpu.memory_space<vmem>>, vector<1x16xf32>,
        %get3A_564 = vector.shape_cast %get3A_563 : vector<1x16xf32> to vector<16xf32>
        %mul3A_565 = arith.mulf %gather3A_545, %get3A_564 : vector<16xf32>
        %add3A_566 = arith.addf %add3A_506, %mul3A_565 : vector<16xf32>
        %get3A_567 = arith.index_cast %add3A_548 : i32 to index
        %get3A_568 = arith.constant 48 : index
        %get3A_569 = tpu.vector_load %arg5[%get3A_567, %get3A_568] {strides = array<i32>} : memref<512x128xf32, #tpu.memory_space<vmem>>, vector<1x16xf32>,
        %get3A_570 = vector.shape_cast %get3A_569 : vector<1x16xf32> to vector<16xf32>
        %mul3A_571 = arith.mulf %gather3A_545, %get3A_570 : vector<16xf32>
        %add3A_572 = arith.addf %add3A_512, %mul3A_571 : vector<16xf32>
        %get3A_573 = arith.index_cast %add3A_548 : i32 to index
        %get3A_574 = arith.constant 64 : index
        %get3A_575 = tpu.vector_load %arg5[%get3A_573, %get3A_574] {strides = array<i32>} : memref<512x128xf32, #tpu.memory_space<vmem>>, vector<1x16xf32>,
        %get3A_576 = vector.shape_cast %get3A_575 : vector<1x16xf32> to vector<16xf32>
        %mul3A_577 = arith.mulf %gather3A_545, %get3A_576 : vector<16xf32>
        %add3A_578 = arith.addf %add3A_518, %mul3A_577 : vector<16xf32>
        %get3A_579 = arith.index_cast %add3A_548 : i32 to index
        %get3A_580 = arith.constant 80 : index
        %get3A_581 = tpu.vector_load %arg5[%get3A_579, %get3A_580] {strides = array<i32>} : memref<512x128xf32, #tpu.memory_space<vmem>>, vector<1x16xf32>,
        %get3A_582 = vector.shape_cast %get3A_581 : vector<1x16xf32> to vector<16xf32>
        %mul3A_583 = arith.mulf %gather3A_545, %get3A_582 : vector<16xf32>
        %add3A_584 = arith.addf %add3A_524, %mul3A_583 : vector<16xf32>
        %get3A_585 = arith.index_cast %add3A_548 : i32 to index
        %get3A_586 = arith.constant 96 : index
        %get3A_587 = tpu.vector_load %arg5[%get3A_585, %get3A_586] {strides = array<i32>} : memref<512x128xf32, #tpu.memory_space<vmem>>, vector<1x16xf32>,
        %get3A_588 = vector.shape_cast %get3A_587 : vector<1x16xf32> to vector<16xf32>
        %mul3A_589 = arith.mulf %gather3A_545, %get3A_588 : vector<16xf32>
        %add3A_590 = arith.addf %add3A_530, %mul3A_589 : vector<16xf32>
        %get3A_591 = arith.index_cast %add3A_548 : i32 to index
        %get3A_592 = arith.constant 112 : index
        %get3A_593 = tpu.vector_load %arg5[%get3A_591, %get3A_592] {strides = array<i32>} : memref<512x128xf32, #tpu.memory_space<vmem>>, vector<1x16xf32>,
        %get3A_594 = vector.shape_cast %get3A_593 : vector<1x16xf32> to vector<16xf32>
        %mul3A_595 = arith.mulf %gather3A_545, %get3A_594 : vector<16xf32>
        %add3A_596 = arith.addf %add3A_536, %mul3A_595 : vector<16xf32>
        %scan3A_597 = arith.constant 8 : i32
        %mul3A_598 = arith.constant 0 : i32
        %mul3A_599 = vector.broadcast %mul3A_598 : i32 to vector<16xi32>
        %mul3A_600 = arith.muli %iota3A, %mul3A_599 : vector<16xi32>
        %add3A_601 = vector.broadcast %scan3A_597 : i32 to vector<16xi32>
        %add3A_602 = arith.addi %mul3A_600, %add3A_601 : vector<16xi32>
        %broadcast_in_dim3A_603 = vector.shape_cast %add3A_602 : vector<16xi32> to vector<16x1xi32>
        %gather3A_604 = vector.shape_cast %broadcast_in_dim3A_603 : vector<16x1xi32> to vector<16xi32>
        %gather3A_605 = tpu.dynamic_gather %get3A_117[%gather3A_604] in [0] : vector<16xf32>, vector<16xi32> -> vector<16xf32>
        %mul3A_606 = arith.constant 16 : i32
        %mul3A_607 = arith.muli %scan3A_104, %mul3A_606 : i32
        %add3A_608 = arith.addi %mul3A_607, %scan3A_597 : i32
        %get3A_609 = arith.index_cast %add3A_608 : i32 to index
        %get3A_610 = arith.constant 0 : index
        %get3A_611 = tpu.vector_load %arg5[%get3A_609, %get3A_610] {strides = array<i32>} : memref<512x128xf32, #tpu.memory_space<vmem>>, vector<1x16xf32>,
        %get3A_612 = vector.shape_cast %get3A_611 : vector<1x16xf32> to vector<16xf32>
        %mul3A_613 = arith.mulf %gather3A_605, %get3A_612 : vector<16xf32>
        %add3A_614 = arith.addf %add3A_554, %mul3A_613 : vector<16xf32>
        %get3A_615 = arith.index_cast %add3A_608 : i32 to index
        %get3A_616 = arith.constant 16 : index
        %get3A_617 = tpu.vector_load %arg5[%get3A_615, %get3A_616] {strides = array<i32>} : memref<512x128xf32, #tpu.memory_space<vmem>>, vector<1x16xf32>,
        %get3A_618 = vector.shape_cast %get3A_617 : vector<1x16xf32> to vector<16xf32>
        %mul3A_619 = arith.mulf %gather3A_605, %get3A_618 : vector<16xf32>
        %add3A_620 = arith.addf %add3A_560, %mul3A_619 : vector<16xf32>
        %get3A_621 = arith.index_cast %add3A_608 : i32 to index
        %get3A_622 = arith.constant 32 : index
        %get3A_623 = tpu.vector_load %arg5[%get3A_621, %get3A_622] {strides = array<i32>} : memref<512x128xf32, #tpu.memory_space<vmem>>, vector<1x16xf32>,
        %get3A_624 = vector.shape_cast %get3A_623 : vector<1x16xf32> to vector<16xf32>
        %mul3A_625 = arith.mulf %gather3A_605, %get3A_624 : vector<16xf32>
        %add3A_626 = arith.addf %add3A_566, %mul3A_625 : vector<16xf32>
        %get3A_627 = arith.index_cast %add3A_608 : i32 to index
        %get3A_628 = arith.constant 48 : index
        %get3A_629 = tpu.vector_load %arg5[%get3A_627, %get3A_628] {strides = array<i32>} : memref<512x128xf32, #tpu.memory_space<vmem>>, vector<1x16xf32>,
        %get3A_630 = vector.shape_cast %get3A_629 : vector<1x16xf32> to vector<16xf32>
        %mul3A_631 = arith.mulf %gather3A_605, %get3A_630 : vector<16xf32>
        %add3A_632 = arith.addf %add3A_572, %mul3A_631 : vector<16xf32>
        %get3A_633 = arith.index_cast %add3A_608 : i32 to index
        %get3A_634 = arith.constant 64 : index
        %get3A_635 = tpu.vector_load %arg5[%get3A_633, %get3A_634] {strides = array<i32>} : memref<512x128xf32, #tpu.memory_space<vmem>>, vector<1x16xf32>,
        %get3A_636 = vector.shape_cast %get3A_635 : vector<1x16xf32> to vector<16xf32>
        %mul3A_637 = arith.mulf %gather3A_605, %get3A_636 : vector<16xf32>
        %add3A_638 = arith.addf %add3A_578, %mul3A_637 : vector<16xf32>
        %get3A_639 = arith.index_cast %add3A_608 : i32 to index
        %get3A_640 = arith.constant 80 : index
        %get3A_641 = tpu.vector_load %arg5[%get3A_639, %get3A_640] {strides = array<i32>} : memref<512x128xf32, #tpu.memory_space<vmem>>, vector<1x16xf32>,
        %get3A_642 = vector.shape_cast %get3A_641 : vector<1x16xf32> to vector<16xf32>
        %mul3A_643 = arith.mulf %gather3A_605, %get3A_642 : vector<16xf32>
        %add3A_644 = arith.addf %add3A_584, %mul3A_643 : vector<16xf32>
        %get3A_645 = arith.index_cast %add3A_608 : i32 to index
        %get3A_646 = arith.constant 96 : index
        %get3A_647 = tpu.vector_load %arg5[%get3A_645, %get3A_646] {strides = array<i32>} : memref<512x128xf32, #tpu.memory_space<vmem>>, vector<1x16xf32>,
        %get3A_648 = vector.shape_cast %get3A_647 : vector<1x16xf32> to vector<16xf32>
        %mul3A_649 = arith.mulf %gather3A_605, %get3A_648 : vector<16xf32>
        %add3A_650 = arith.addf %add3A_590, %mul3A_649 : vector<16xf32>
        %get3A_651 = arith.index_cast %add3A_608 : i32 to index
        %get3A_652 = arith.constant 112 : index
        %get3A_653 = tpu.vector_load %arg5[%get3A_651, %get3A_652] {strides = array<i32>} : memref<512x128xf32, #tpu.memory_space<vmem>>, vector<1x16xf32>,
        %get3A_654 = vector.shape_cast %get3A_653 : vector<1x16xf32> to vector<16xf32>
        %mul3A_655 = arith.mulf %gather3A_605, %get3A_654 : vector<16xf32>
        %add3A_656 = arith.addf %add3A_596, %mul3A_655 : vector<16xf32>
        %scan3A_657 = arith.constant 9 : i32
        %mul3A_658 = arith.constant 0 : i32
        %mul3A_659 = vector.broadcast %mul3A_658 : i32 to vector<16xi32>
        %mul3A_660 = arith.muli %iota3A, %mul3A_659 : vector<16xi32>
        %add3A_661 = vector.broadcast %scan3A_657 : i32 to vector<16xi32>
        %add3A_662 = arith.addi %mul3A_660, %add3A_661 : vector<16xi32>
        %broadcast_in_dim3A_663 = vector.shape_cast %add3A_662 : vector<16xi32> to vector<16x1xi32>
        %gather3A_664 = vector.shape_cast %broadcast_in_dim3A_663 : vector<16x1xi32> to vector<16xi32>
        %gather3A_665 = tpu.dynamic_gather %get3A_117[%gather3A_664] in [0] : vector<16xf32>, vector<16xi32> -> vector<16xf32>
        %mul3A_666 = arith.constant 16 : i32
        %mul3A_667 = arith.muli %scan3A_104, %mul3A_666 : i32
        %add3A_668 = arith.addi %mul3A_667, %scan3A_657 : i32
        %get3A_669 = arith.index_cast %add3A_668 : i32 to index
        %get3A_670 = arith.constant 0 : index
        %get3A_671 = tpu.vector_load %arg5[%get3A_669, %get3A_670] {strides = array<i32>} : memref<512x128xf32, #tpu.memory_space<vmem>>, vector<1x16xf32>,
        %get3A_672 = vector.shape_cast %get3A_671 : vector<1x16xf32> to vector<16xf32>
        %mul3A_673 = arith.mulf %gather3A_665, %get3A_672 : vector<16xf32>
        %add3A_674 = arith.addf %add3A_614, %mul3A_673 : vector<16xf32>
        %get3A_675 = arith.index_cast %add3A_668 : i32 to index
        %get3A_676 = arith.constant 16 : index
        %get3A_677 = tpu.vector_load %arg5[%get3A_675, %get3A_676] {strides = array<i32>} : memref<512x128xf32, #tpu.memory_space<vmem>>, vector<1x16xf32>,
        %get3A_678 = vector.shape_cast %get3A_677 : vector<1x16xf32> to vector<16xf32>
        %mul3A_679 = arith.mulf %gather3A_665, %get3A_678 : vector<16xf32>
        %add3A_680 = arith.addf %add3A_620, %mul3A_679 : vector<16xf32>
        %get3A_681 = arith.index_cast %add3A_668 : i32 to index
        %get3A_682 = arith.constant 32 : index
        %get3A_683 = tpu.vector_load %arg5[%get3A_681, %get3A_682] {strides = array<i32>} : memref<512x128xf32, #tpu.memory_space<vmem>>, vector<1x16xf32>,
        %get3A_684 = vector.shape_cast %get3A_683 : vector<1x16xf32> to vector<16xf32>
        %mul3A_685 = arith.mulf %gather3A_665, %get3A_684 : vector<16xf32>
        %add3A_686 = arith.addf %add3A_626, %mul3A_685 : vector<16xf32>
        %get3A_687 = arith.index_cast %add3A_668 : i32 to index
        %get3A_688 = arith.constant 48 : index
        %get3A_689 = tpu.vector_load %arg5[%get3A_687, %get3A_688] {strides = array<i32>} : memref<512x128xf32, #tpu.memory_space<vmem>>, vector<1x16xf32>,
        %get3A_690 = vector.shape_cast %get3A_689 : vector<1x16xf32> to vector<16xf32>
        %mul3A_691 = arith.mulf %gather3A_665, %get3A_690 : vector<16xf32>
        %add3A_692 = arith.addf %add3A_632, %mul3A_691 : vector<16xf32>
        %get3A_693 = arith.index_cast %add3A_668 : i32 to index
        %get3A_694 = arith.constant 64 : index
        %get3A_695 = tpu.vector_load %arg5[%get3A_693, %get3A_694] {strides = array<i32>} : memref<512x128xf32, #tpu.memory_space<vmem>>, vector<1x16xf32>,
        %get3A_696 = vector.shape_cast %get3A_695 : vector<1x16xf32> to vector<16xf32>
        %mul3A_697 = arith.mulf %gather3A_665, %get3A_696 : vector<16xf32>
        %add3A_698 = arith.addf %add3A_638, %mul3A_697 : vector<16xf32>
        %get3A_699 = arith.index_cast %add3A_668 : i32 to index
        %get3A_700 = arith.constant 80 : index
        %get3A_701 = tpu.vector_load %arg5[%get3A_699, %get3A_700] {strides = array<i32>} : memref<512x128xf32, #tpu.memory_space<vmem>>, vector<1x16xf32>,
        %get3A_702 = vector.shape_cast %get3A_701 : vector<1x16xf32> to vector<16xf32>
        %mul3A_703 = arith.mulf %gather3A_665, %get3A_702 : vector<16xf32>
        %add3A_704 = arith.addf %add3A_644, %mul3A_703 : vector<16xf32>
        %get3A_705 = arith.index_cast %add3A_668 : i32 to index
        %get3A_706 = arith.constant 96 : index
        %get3A_707 = tpu.vector_load %arg5[%get3A_705, %get3A_706] {strides = array<i32>} : memref<512x128xf32, #tpu.memory_space<vmem>>, vector<1x16xf32>,
        %get3A_708 = vector.shape_cast %get3A_707 : vector<1x16xf32> to vector<16xf32>
        %mul3A_709 = arith.mulf %gather3A_665, %get3A_708 : vector<16xf32>
        %add3A_710 = arith.addf %add3A_650, %mul3A_709 : vector<16xf32>
        %get3A_711 = arith.index_cast %add3A_668 : i32 to index
        %get3A_712 = arith.constant 112 : index
        %get3A_713 = tpu.vector_load %arg5[%get3A_711, %get3A_712] {strides = array<i32>} : memref<512x128xf32, #tpu.memory_space<vmem>>, vector<1x16xf32>,
        %get3A_714 = vector.shape_cast %get3A_713 : vector<1x16xf32> to vector<16xf32>
        %mul3A_715 = arith.mulf %gather3A_665, %get3A_714 : vector<16xf32>
        %add3A_716 = arith.addf %add3A_656, %mul3A_715 : vector<16xf32>
        %scan3A_717 = arith.constant 10 : i32
        %mul3A_718 = arith.constant 0 : i32
        %mul3A_719 = vector.broadcast %mul3A_718 : i32 to vector<16xi32>
        %mul3A_720 = arith.muli %iota3A, %mul3A_719 : vector<16xi32>
        %add3A_721 = vector.broadcast %scan3A_717 : i32 to vector<16xi32>
        %add3A_722 = arith.addi %mul3A_720, %add3A_721 : vector<16xi32>
        %broadcast_in_dim3A_723 = vector.shape_cast %add3A_722 : vector<16xi32> to vector<16x1xi32>
        %gather3A_724 = vector.shape_cast %broadcast_in_dim3A_723 : vector<16x1xi32> to vector<16xi32>
        %gather3A_725 = tpu.dynamic_gather %get3A_117[%gather3A_724] in [0] : vector<16xf32>, vector<16xi32> -> vector<16xf32>
        %mul3A_726 = arith.constant 16 : i32
        %mul3A_727 = arith.muli %scan3A_104, %mul3A_726 : i32
        %add3A_728 = arith.addi %mul3A_727, %scan3A_717 : i32
        %get3A_729 = arith.index_cast %add3A_728 : i32 to index
        %get3A_730 = arith.constant 0 : index
        %get3A_731 = tpu.vector_load %arg5[%get3A_729, %get3A_730] {strides = array<i32>} : memref<512x128xf32, #tpu.memory_space<vmem>>, vector<1x16xf32>,
        %get3A_732 = vector.shape_cast %get3A_731 : vector<1x16xf32> to vector<16xf32>
        %mul3A_733 = arith.mulf %gather3A_725, %get3A_732 : vector<16xf32>
        %add3A_734 = arith.addf %add3A_674, %mul3A_733 : vector<16xf32>
        %get3A_735 = arith.index_cast %add3A_728 : i32 to index
        %get3A_736 = arith.constant 16 : index
        %get3A_737 = tpu.vector_load %arg5[%get3A_735, %get3A_736] {strides = array<i32>} : memref<512x128xf32, #tpu.memory_space<vmem>>, vector<1x16xf32>,
        %get3A_738 = vector.shape_cast %get3A_737 : vector<1x16xf32> to vector<16xf32>
        %mul3A_739 = arith.mulf %gather3A_725, %get3A_738 : vector<16xf32>
        %add3A_740 = arith.addf %add3A_680, %mul3A_739 : vector<16xf32>
        %get3A_741 = arith.index_cast %add3A_728 : i32 to index
        %get3A_742 = arith.constant 32 : index
        %get3A_743 = tpu.vector_load %arg5[%get3A_741, %get3A_742] {strides = array<i32>} : memref<512x128xf32, #tpu.memory_space<vmem>>, vector<1x16xf32>,
        %get3A_744 = vector.shape_cast %get3A_743 : vector<1x16xf32> to vector<16xf32>
        %mul3A_745 = arith.mulf %gather3A_725, %get3A_744 : vector<16xf32>
        %add3A_746 = arith.addf %add3A_686, %mul3A_745 : vector<16xf32>
        %get3A_747 = arith.index_cast %add3A_728 : i32 to index
        %get3A_748 = arith.constant 48 : index
        %get3A_749 = tpu.vector_load %arg5[%get3A_747, %get3A_748] {strides = array<i32>} : memref<512x128xf32, #tpu.memory_space<vmem>>, vector<1x16xf32>,
        %get3A_750 = vector.shape_cast %get3A_749 : vector<1x16xf32> to vector<16xf32>
        %mul3A_751 = arith.mulf %gather3A_725, %get3A_750 : vector<16xf32>
        %add3A_752 = arith.addf %add3A_692, %mul3A_751 : vector<16xf32>
        %get3A_753 = arith.index_cast %add3A_728 : i32 to index
        %get3A_754 = arith.constant 64 : index
        %get3A_755 = tpu.vector_load %arg5[%get3A_753, %get3A_754] {strides = array<i32>} : memref<512x128xf32, #tpu.memory_space<vmem>>, vector<1x16xf32>,
        %get3A_756 = vector.shape_cast %get3A_755 : vector<1x16xf32> to vector<16xf32>
        %mul3A_757 = arith.mulf %gather3A_725, %get3A_756 : vector<16xf32>
        %add3A_758 = arith.addf %add3A_698, %mul3A_757 : vector<16xf32>
        %get3A_759 = arith.index_cast %add3A_728 : i32 to index
        %get3A_760 = arith.constant 80 : index
        %get3A_761 = tpu.vector_load %arg5[%get3A_759, %get3A_760] {strides = array<i32>} : memref<512x128xf32, #tpu.memory_space<vmem>>, vector<1x16xf32>,
        %get3A_762 = vector.shape_cast %get3A_761 : vector<1x16xf32> to vector<16xf32>
        %mul3A_763 = arith.mulf %gather3A_725, %get3A_762 : vector<16xf32>
        %add3A_764 = arith.addf %add3A_704, %mul3A_763 : vector<16xf32>
        %get3A_765 = arith.index_cast %add3A_728 : i32 to index
        %get3A_766 = arith.constant 96 : index
        %get3A_767 = tpu.vector_load %arg5[%get3A_765, %get3A_766] {strides = array<i32>} : memref<512x128xf32, #tpu.memory_space<vmem>>, vector<1x16xf32>,
        %get3A_768 = vector.shape_cast %get3A_767 : vector<1x16xf32> to vector<16xf32>
        %mul3A_769 = arith.mulf %gather3A_725, %get3A_768 : vector<16xf32>
        %add3A_770 = arith.addf %add3A_710, %mul3A_769 : vector<16xf32>
        %get3A_771 = arith.index_cast %add3A_728 : i32 to index
        %get3A_772 = arith.constant 112 : index
        %get3A_773 = tpu.vector_load %arg5[%get3A_771, %get3A_772] {strides = array<i32>} : memref<512x128xf32, #tpu.memory_space<vmem>>, vector<1x16xf32>,
        %get3A_774 = vector.shape_cast %get3A_773 : vector<1x16xf32> to vector<16xf32>
        %mul3A_775 = arith.mulf %gather3A_725, %get3A_774 : vector<16xf32>
        %add3A_776 = arith.addf %add3A_716, %mul3A_775 : vector<16xf32>
        %scan3A_777 = arith.constant 11 : i32
        %mul3A_778 = arith.constant 0 : i32
        %mul3A_779 = vector.broadcast %mul3A_778 : i32 to vector<16xi32>
        %mul3A_780 = arith.muli %iota3A, %mul3A_779 : vector<16xi32>
        %add3A_781 = vector.broadcast %scan3A_777 : i32 to vector<16xi32>
        %add3A_782 = arith.addi %mul3A_780, %add3A_781 : vector<16xi32>
        %broadcast_in_dim3A_783 = vector.shape_cast %add3A_782 : vector<16xi32> to vector<16x1xi32>
        %gather3A_784 = vector.shape_cast %broadcast_in_dim3A_783 : vector<16x1xi32> to vector<16xi32>
        %gather3A_785 = tpu.dynamic_gather %get3A_117[%gather3A_784] in [0] : vector<16xf32>, vector<16xi32> -> vector<16xf32>
        %mul3A_786 = arith.constant 16 : i32
        %mul3A_787 = arith.muli %scan3A_104, %mul3A_786 : i32
        %add3A_788 = arith.addi %mul3A_787, %scan3A_777 : i32
        %get3A_789 = arith.index_cast %add3A_788 : i32 to index
        %get3A_790 = arith.constant 0 : index
        %get3A_791 = tpu.vector_load %arg5[%get3A_789, %get3A_790] {strides = array<i32>} : memref<512x128xf32, #tpu.memory_space<vmem>>, vector<1x16xf32>,
        %get3A_792 = vector.shape_cast %get3A_791 : vector<1x16xf32> to vector<16xf32>
        %mul3A_793 = arith.mulf %gather3A_785, %get3A_792 : vector<16xf32>
        %add3A_794 = arith.addf %add3A_734, %mul3A_793 : vector<16xf32>
        %get3A_795 = arith.index_cast %add3A_788 : i32 to index
        %get3A_796 = arith.constant 16 : index
        %get3A_797 = tpu.vector_load %arg5[%get3A_795, %get3A_796] {strides = array<i32>} : memref<512x128xf32, #tpu.memory_space<vmem>>, vector<1x16xf32>,
        %get3A_798 = vector.shape_cast %get3A_797 : vector<1x16xf32> to vector<16xf32>
        %mul3A_799 = arith.mulf %gather3A_785, %get3A_798 : vector<16xf32>
        %add3A_800 = arith.addf %add3A_740, %mul3A_799 : vector<16xf32>
        %get3A_801 = arith.index_cast %add3A_788 : i32 to index
        %get3A_802 = arith.constant 32 : index
        %get3A_803 = tpu.vector_load %arg5[%get3A_801, %get3A_802] {strides = array<i32>} : memref<512x128xf32, #tpu.memory_space<vmem>>, vector<1x16xf32>,
        %get3A_804 = vector.shape_cast %get3A_803 : vector<1x16xf32> to vector<16xf32>
        %mul3A_805 = arith.mulf %gather3A_785, %get3A_804 : vector<16xf32>
        %add3A_806 = arith.addf %add3A_746, %mul3A_805 : vector<16xf32>
        %get3A_807 = arith.index_cast %add3A_788 : i32 to index
        %get3A_808 = arith.constant 48 : index
        %get3A_809 = tpu.vector_load %arg5[%get3A_807, %get3A_808] {strides = array<i32>} : memref<512x128xf32, #tpu.memory_space<vmem>>, vector<1x16xf32>,
        %get3A_810 = vector.shape_cast %get3A_809 : vector<1x16xf32> to vector<16xf32>
        %mul3A_811 = arith.mulf %gather3A_785, %get3A_810 : vector<16xf32>
        %add3A_812 = arith.addf %add3A_752, %mul3A_811 : vector<16xf32>
        %get3A_813 = arith.index_cast %add3A_788 : i32 to index
        %get3A_814 = arith.constant 64 : index
        %get3A_815 = tpu.vector_load %arg5[%get3A_813, %get3A_814] {strides = array<i32>} : memref<512x128xf32, #tpu.memory_space<vmem>>, vector<1x16xf32>,
        %get3A_816 = vector.shape_cast %get3A_815 : vector<1x16xf32> to vector<16xf32>
        %mul3A_817 = arith.mulf %gather3A_785, %get3A_816 : vector<16xf32>
        %add3A_818 = arith.addf %add3A_758, %mul3A_817 : vector<16xf32>
        %get3A_819 = arith.index_cast %add3A_788 : i32 to index
        %get3A_820 = arith.constant 80 : index
        %get3A_821 = tpu.vector_load %arg5[%get3A_819, %get3A_820] {strides = array<i32>} : memref<512x128xf32, #tpu.memory_space<vmem>>, vector<1x16xf32>,
        %get3A_822 = vector.shape_cast %get3A_821 : vector<1x16xf32> to vector<16xf32>
        %mul3A_823 = arith.mulf %gather3A_785, %get3A_822 : vector<16xf32>
        %add3A_824 = arith.addf %add3A_764, %mul3A_823 : vector<16xf32>
        %get3A_825 = arith.index_cast %add3A_788 : i32 to index
        %get3A_826 = arith.constant 96 : index
        %get3A_827 = tpu.vector_load %arg5[%get3A_825, %get3A_826] {strides = array<i32>} : memref<512x128xf32, #tpu.memory_space<vmem>>, vector<1x16xf32>,
        %get3A_828 = vector.shape_cast %get3A_827 : vector<1x16xf32> to vector<16xf32>
        %mul3A_829 = arith.mulf %gather3A_785, %get3A_828 : vector<16xf32>
        %add3A_830 = arith.addf %add3A_770, %mul3A_829 : vector<16xf32>
        %get3A_831 = arith.index_cast %add3A_788 : i32 to index
        %get3A_832 = arith.constant 112 : index
        %get3A_833 = tpu.vector_load %arg5[%get3A_831, %get3A_832] {strides = array<i32>} : memref<512x128xf32, #tpu.memory_space<vmem>>, vector<1x16xf32>,
        %get3A_834 = vector.shape_cast %get3A_833 : vector<1x16xf32> to vector<16xf32>
        %mul3A_835 = arith.mulf %gather3A_785, %get3A_834 : vector<16xf32>
        %add3A_836 = arith.addf %add3A_776, %mul3A_835 : vector<16xf32>
        %scan3A_837 = arith.constant 12 : i32
        %mul3A_838 = arith.constant 0 : i32
        %mul3A_839 = vector.broadcast %mul3A_838 : i32 to vector<16xi32>
        %mul3A_840 = arith.muli %iota3A, %mul3A_839 : vector<16xi32>
        %add3A_841 = vector.broadcast %scan3A_837 : i32 to vector<16xi32>
        %add3A_842 = arith.addi %mul3A_840, %add3A_841 : vector<16xi32>
        %broadcast_in_dim3A_843 = vector.shape_cast %add3A_842 : vector<16xi32> to vector<16x1xi32>
        %gather3A_844 = vector.shape_cast %broadcast_in_dim3A_843 : vector<16x1xi32> to vector<16xi32>
        %gather3A_845 = tpu.dynamic_gather %get3A_117[%gather3A_844] in [0] : vector<16xf32>, vector<16xi32> -> vector<16xf32>
        %mul3A_846 = arith.constant 16 : i32
        %mul3A_847 = arith.muli %scan3A_104, %mul3A_846 : i32
        %add3A_848 = arith.addi %mul3A_847, %scan3A_837 : i32
        %get3A_849 = arith.index_cast %add3A_848 : i32 to index
        %get3A_850 = arith.constant 0 : index
        %get3A_851 = tpu.vector_load %arg5[%get3A_849, %get3A_850] {strides = array<i32>} : memref<512x128xf32, #tpu.memory_space<vmem>>, vector<1x16xf32>,
        %get3A_852 = vector.shape_cast %get3A_851 : vector<1x16xf32> to vector<16xf32>
        %mul3A_853 = arith.mulf %gather3A_845, %get3A_852 : vector<16xf32>
        %add3A_854 = arith.addf %add3A_794, %mul3A_853 : vector<16xf32>
        %get3A_855 = arith.index_cast %add3A_848 : i32 to index
        %get3A_856 = arith.constant 16 : index
        %get3A_857 = tpu.vector_load %arg5[%get3A_855, %get3A_856] {strides = array<i32>} : memref<512x128xf32, #tpu.memory_space<vmem>>, vector<1x16xf32>,
        %get3A_858 = vector.shape_cast %get3A_857 : vector<1x16xf32> to vector<16xf32>
        %mul3A_859 = arith.mulf %gather3A_845, %get3A_858 : vector<16xf32>
        %add3A_860 = arith.addf %add3A_800, %mul3A_859 : vector<16xf32>
        %get3A_861 = arith.index_cast %add3A_848 : i32 to index
        %get3A_862 = arith.constant 32 : index
        %get3A_863 = tpu.vector_load %arg5[%get3A_861, %get3A_862] {strides = array<i32>} : memref<512x128xf32, #tpu.memory_space<vmem>>, vector<1x16xf32>,
        %get3A_864 = vector.shape_cast %get3A_863 : vector<1x16xf32> to vector<16xf32>
        %mul3A_865 = arith.mulf %gather3A_845, %get3A_864 : vector<16xf32>
        %add3A_866 = arith.addf %add3A_806, %mul3A_865 : vector<16xf32>
        %get3A_867 = arith.index_cast %add3A_848 : i32 to index
        %get3A_868 = arith.constant 48 : index
        %get3A_869 = tpu.vector_load %arg5[%get3A_867, %get3A_868] {strides = array<i32>} : memref<512x128xf32, #tpu.memory_space<vmem>>, vector<1x16xf32>,
        %get3A_870 = vector.shape_cast %get3A_869 : vector<1x16xf32> to vector<16xf32>
        %mul3A_871 = arith.mulf %gather3A_845, %get3A_870 : vector<16xf32>
        %add3A_872 = arith.addf %add3A_812, %mul3A_871 : vector<16xf32>
        %get3A_873 = arith.index_cast %add3A_848 : i32 to index
        %get3A_874 = arith.constant 64 : index
        %get3A_875 = tpu.vector_load %arg5[%get3A_873, %get3A_874] {strides = array<i32>} : memref<512x128xf32, #tpu.memory_space<vmem>>, vector<1x16xf32>,
        %get3A_876 = vector.shape_cast %get3A_875 : vector<1x16xf32> to vector<16xf32>
        %mul3A_877 = arith.mulf %gather3A_845, %get3A_876 : vector<16xf32>
        %add3A_878 = arith.addf %add3A_818, %mul3A_877 : vector<16xf32>
        %get3A_879 = arith.index_cast %add3A_848 : i32 to index
        %get3A_880 = arith.constant 80 : index
        %get3A_881 = tpu.vector_load %arg5[%get3A_879, %get3A_880] {strides = array<i32>} : memref<512x128xf32, #tpu.memory_space<vmem>>, vector<1x16xf32>,
        %get3A_882 = vector.shape_cast %get3A_881 : vector<1x16xf32> to vector<16xf32>
        %mul3A_883 = arith.mulf %gather3A_845, %get3A_882 : vector<16xf32>
        %add3A_884 = arith.addf %add3A_824, %mul3A_883 : vector<16xf32>
        %get3A_885 = arith.index_cast %add3A_848 : i32 to index
        %get3A_886 = arith.constant 96 : index
        %get3A_887 = tpu.vector_load %arg5[%get3A_885, %get3A_886] {strides = array<i32>} : memref<512x128xf32, #tpu.memory_space<vmem>>, vector<1x16xf32>,
        %get3A_888 = vector.shape_cast %get3A_887 : vector<1x16xf32> to vector<16xf32>
        %mul3A_889 = arith.mulf %gather3A_845, %get3A_888 : vector<16xf32>
        %add3A_890 = arith.addf %add3A_830, %mul3A_889 : vector<16xf32>
        %get3A_891 = arith.index_cast %add3A_848 : i32 to index
        %get3A_892 = arith.constant 112 : index
        %get3A_893 = tpu.vector_load %arg5[%get3A_891, %get3A_892] {strides = array<i32>} : memref<512x128xf32, #tpu.memory_space<vmem>>, vector<1x16xf32>,
        %get3A_894 = vector.shape_cast %get3A_893 : vector<1x16xf32> to vector<16xf32>
        %mul3A_895 = arith.mulf %gather3A_845, %get3A_894 : vector<16xf32>
        %add3A_896 = arith.addf %add3A_836, %mul3A_895 : vector<16xf32>
        %scan3A_897 = arith.constant 13 : i32
        %mul3A_898 = arith.constant 0 : i32
        %mul3A_899 = vector.broadcast %mul3A_898 : i32 to vector<16xi32>
        %mul3A_900 = arith.muli %iota3A, %mul3A_899 : vector<16xi32>
        %add3A_901 = vector.broadcast %scan3A_897 : i32 to vector<16xi32>
        %add3A_902 = arith.addi %mul3A_900, %add3A_901 : vector<16xi32>
        %broadcast_in_dim3A_903 = vector.shape_cast %add3A_902 : vector<16xi32> to vector<16x1xi32>
        %gather3A_904 = vector.shape_cast %broadcast_in_dim3A_903 : vector<16x1xi32> to vector<16xi32>
        %gather3A_905 = tpu.dynamic_gather %get3A_117[%gather3A_904] in [0] : vector<16xf32>, vector<16xi32> -> vector<16xf32>
        %mul3A_906 = arith.constant 16 : i32
        %mul3A_907 = arith.muli %scan3A_104, %mul3A_906 : i32
        %add3A_908 = arith.addi %mul3A_907, %scan3A_897 : i32
        %get3A_909 = arith.index_cast %add3A_908 : i32 to index
        %get3A_910 = arith.constant 0 : index
        %get3A_911 = tpu.vector_load %arg5[%get3A_909, %get3A_910] {strides = array<i32>} : memref<512x128xf32, #tpu.memory_space<vmem>>, vector<1x16xf32>,
        %get3A_912 = vector.shape_cast %get3A_911 : vector<1x16xf32> to vector<16xf32>
        %mul3A_913 = arith.mulf %gather3A_905, %get3A_912 : vector<16xf32>
        %add3A_914 = arith.addf %add3A_854, %mul3A_913 : vector<16xf32>
        %get3A_915 = arith.index_cast %add3A_908 : i32 to index
        %get3A_916 = arith.constant 16 : index
        %get3A_917 = tpu.vector_load %arg5[%get3A_915, %get3A_916] {strides = array<i32>} : memref<512x128xf32, #tpu.memory_space<vmem>>, vector<1x16xf32>,
        %get3A_918 = vector.shape_cast %get3A_917 : vector<1x16xf32> to vector<16xf32>
        %mul3A_919 = arith.mulf %gather3A_905, %get3A_918 : vector<16xf32>
        %add3A_920 = arith.addf %add3A_860, %mul3A_919 : vector<16xf32>
        %get3A_921 = arith.index_cast %add3A_908 : i32 to index
        %get3A_922 = arith.constant 32 : index
        %get3A_923 = tpu.vector_load %arg5[%get3A_921, %get3A_922] {strides = array<i32>} : memref<512x128xf32, #tpu.memory_space<vmem>>, vector<1x16xf32>,
        %get3A_924 = vector.shape_cast %get3A_923 : vector<1x16xf32> to vector<16xf32>
        %mul3A_925 = arith.mulf %gather3A_905, %get3A_924 : vector<16xf32>
        %add3A_926 = arith.addf %add3A_866, %mul3A_925 : vector<16xf32>
        %get3A_927 = arith.index_cast %add3A_908 : i32 to index
        %get3A_928 = arith.constant 48 : index
        %get3A_929 = tpu.vector_load %arg5[%get3A_927, %get3A_928] {strides = array<i32>} : memref<512x128xf32, #tpu.memory_space<vmem>>, vector<1x16xf32>,
        %get3A_930 = vector.shape_cast %get3A_929 : vector<1x16xf32> to vector<16xf32>
        %mul3A_931 = arith.mulf %gather3A_905, %get3A_930 : vector<16xf32>
        %add3A_932 = arith.addf %add3A_872, %mul3A_931 : vector<16xf32>
        %get3A_933 = arith.index_cast %add3A_908 : i32 to index
        %get3A_934 = arith.constant 64 : index
        %get3A_935 = tpu.vector_load %arg5[%get3A_933, %get3A_934] {strides = array<i32>} : memref<512x128xf32, #tpu.memory_space<vmem>>, vector<1x16xf32>,
        %get3A_936 = vector.shape_cast %get3A_935 : vector<1x16xf32> to vector<16xf32>
        %mul3A_937 = arith.mulf %gather3A_905, %get3A_936 : vector<16xf32>
        %add3A_938 = arith.addf %add3A_878, %mul3A_937 : vector<16xf32>
        %get3A_939 = arith.index_cast %add3A_908 : i32 to index
        %get3A_940 = arith.constant 80 : index
        %get3A_941 = tpu.vector_load %arg5[%get3A_939, %get3A_940] {strides = array<i32>} : memref<512x128xf32, #tpu.memory_space<vmem>>, vector<1x16xf32>,
        %get3A_942 = vector.shape_cast %get3A_941 : vector<1x16xf32> to vector<16xf32>
        %mul3A_943 = arith.mulf %gather3A_905, %get3A_942 : vector<16xf32>
        %add3A_944 = arith.addf %add3A_884, %mul3A_943 : vector<16xf32>
        %get3A_945 = arith.index_cast %add3A_908 : i32 to index
        %get3A_946 = arith.constant 96 : index
        %get3A_947 = tpu.vector_load %arg5[%get3A_945, %get3A_946] {strides = array<i32>} : memref<512x128xf32, #tpu.memory_space<vmem>>, vector<1x16xf32>,
        %get3A_948 = vector.shape_cast %get3A_947 : vector<1x16xf32> to vector<16xf32>
        %mul3A_949 = arith.mulf %gather3A_905, %get3A_948 : vector<16xf32>
        %add3A_950 = arith.addf %add3A_890, %mul3A_949 : vector<16xf32>
        %get3A_951 = arith.index_cast %add3A_908 : i32 to index
        %get3A_952 = arith.constant 112 : index
        %get3A_953 = tpu.vector_load %arg5[%get3A_951, %get3A_952] {strides = array<i32>} : memref<512x128xf32, #tpu.memory_space<vmem>>, vector<1x16xf32>,
        %get3A_954 = vector.shape_cast %get3A_953 : vector<1x16xf32> to vector<16xf32>
        %mul3A_955 = arith.mulf %gather3A_905, %get3A_954 : vector<16xf32>
        %add3A_956 = arith.addf %add3A_896, %mul3A_955 : vector<16xf32>
        %scan3A_957 = arith.constant 14 : i32
        %mul3A_958 = arith.constant 0 : i32
        %mul3A_959 = vector.broadcast %mul3A_958 : i32 to vector<16xi32>
        %mul3A_960 = arith.muli %iota3A, %mul3A_959 : vector<16xi32>
        %add3A_961 = vector.broadcast %scan3A_957 : i32 to vector<16xi32>
        %add3A_962 = arith.addi %mul3A_960, %add3A_961 : vector<16xi32>
        %broadcast_in_dim3A_963 = vector.shape_cast %add3A_962 : vector<16xi32> to vector<16x1xi32>
        %gather3A_964 = vector.shape_cast %broadcast_in_dim3A_963 : vector<16x1xi32> to vector<16xi32>
        %gather3A_965 = tpu.dynamic_gather %get3A_117[%gather3A_964] in [0] : vector<16xf32>, vector<16xi32> -> vector<16xf32>
        %mul3A_966 = arith.constant 16 : i32
        %mul3A_967 = arith.muli %scan3A_104, %mul3A_966 : i32
        %add3A_968 = arith.addi %mul3A_967, %scan3A_957 : i32
        %get3A_969 = arith.index_cast %add3A_968 : i32 to index
        %get3A_970 = arith.constant 0 : index
        %get3A_971 = tpu.vector_load %arg5[%get3A_969, %get3A_970] {strides = array<i32>} : memref<512x128xf32, #tpu.memory_space<vmem>>, vector<1x16xf32>,
        %get3A_972 = vector.shape_cast %get3A_971 : vector<1x16xf32> to vector<16xf32>
        %mul3A_973 = arith.mulf %gather3A_965, %get3A_972 : vector<16xf32>
        %add3A_974 = arith.addf %add3A_914, %mul3A_973 : vector<16xf32>
        %get3A_975 = arith.index_cast %add3A_968 : i32 to index
        %get3A_976 = arith.constant 16 : index
        %get3A_977 = tpu.vector_load %arg5[%get3A_975, %get3A_976] {strides = array<i32>} : memref<512x128xf32, #tpu.memory_space<vmem>>, vector<1x16xf32>,
        %get3A_978 = vector.shape_cast %get3A_977 : vector<1x16xf32> to vector<16xf32>
        %mul3A_979 = arith.mulf %gather3A_965, %get3A_978 : vector<16xf32>
        %add3A_980 = arith.addf %add3A_920, %mul3A_979 : vector<16xf32>
        %get3A_981 = arith.index_cast %add3A_968 : i32 to index
        %get3A_982 = arith.constant 32 : index
        %get3A_983 = tpu.vector_load %arg5[%get3A_981, %get3A_982] {strides = array<i32>} : memref<512x128xf32, #tpu.memory_space<vmem>>, vector<1x16xf32>,
        %get3A_984 = vector.shape_cast %get3A_983 : vector<1x16xf32> to vector<16xf32>
        %mul3A_985 = arith.mulf %gather3A_965, %get3A_984 : vector<16xf32>
        %add3A_986 = arith.addf %add3A_926, %mul3A_985 : vector<16xf32>
        %get3A_987 = arith.index_cast %add3A_968 : i32 to index
        %get3A_988 = arith.constant 48 : index
        %get3A_989 = tpu.vector_load %arg5[%get3A_987, %get3A_988] {strides = array<i32>} : memref<512x128xf32, #tpu.memory_space<vmem>>, vector<1x16xf32>,
        %get3A_990 = vector.shape_cast %get3A_989 : vector<1x16xf32> to vector<16xf32>
        %mul3A_991 = arith.mulf %gather3A_965, %get3A_990 : vector<16xf32>
        %add3A_992 = arith.addf %add3A_932, %mul3A_991 : vector<16xf32>
        %get3A_993 = arith.index_cast %add3A_968 : i32 to index
        %get3A_994 = arith.constant 64 : index
        %get3A_995 = tpu.vector_load %arg5[%get3A_993, %get3A_994] {strides = array<i32>} : memref<512x128xf32, #tpu.memory_space<vmem>>, vector<1x16xf32>,
        %get3A_996 = vector.shape_cast %get3A_995 : vector<1x16xf32> to vector<16xf32>
        %mul3A_997 = arith.mulf %gather3A_965, %get3A_996 : vector<16xf32>
        %add3A_998 = arith.addf %add3A_938, %mul3A_997 : vector<16xf32>
        %get3A_999 = arith.index_cast %add3A_968 : i32 to index
        %get3A_1000 = arith.constant 80 : index
        %get3A_1001 = tpu.vector_load %arg5[%get3A_999, %get3A_1000] {strides = array<i32>} : memref<512x128xf32, #tpu.memory_space<vmem>>, vector<1x16xf32>,
        %get3A_1002 = vector.shape_cast %get3A_1001 : vector<1x16xf32> to vector<16xf32>
        %mul3A_1003 = arith.mulf %gather3A_965, %get3A_1002 : vector<16xf32>
        %add3A_1004 = arith.addf %add3A_944, %mul3A_1003 : vector<16xf32>
        %get3A_1005 = arith.index_cast %add3A_968 : i32 to index
        %get3A_1006 = arith.constant 96 : index
        %get3A_1007 = tpu.vector_load %arg5[%get3A_1005, %get3A_1006] {strides = array<i32>} : memref<512x128xf32, #tpu.memory_space<vmem>>, vector<1x16xf32>,
        %get3A_1008 = vector.shape_cast %get3A_1007 : vector<1x16xf32> to vector<16xf32>
        %mul3A_1009 = arith.mulf %gather3A_965, %get3A_1008 : vector<16xf32>
        %add3A_1010 = arith.addf %add3A_950, %mul3A_1009 : vector<16xf32>
        %get3A_1011 = arith.index_cast %add3A_968 : i32 to index
        %get3A_1012 = arith.constant 112 : index
        %get3A_1013 = tpu.vector_load %arg5[%get3A_1011, %get3A_1012] {strides = array<i32>} : memref<512x128xf32, #tpu.memory_space<vmem>>, vector<1x16xf32>,
        %get3A_1014 = vector.shape_cast %get3A_1013 : vector<1x16xf32> to vector<16xf32>
        %mul3A_1015 = arith.mulf %gather3A_965, %get3A_1014 : vector<16xf32>
        %add3A_1016 = arith.addf %add3A_956, %mul3A_1015 : vector<16xf32>
        %scan3A_1017 = arith.constant 15 : i32
        %mul3A_1018 = arith.constant 0 : i32
        %mul3A_1019 = vector.broadcast %mul3A_1018 : i32 to vector<16xi32>
        %mul3A_1020 = arith.muli %iota3A, %mul3A_1019 : vector<16xi32>
        %add3A_1021 = vector.broadcast %scan3A_1017 : i32 to vector<16xi32>
        %add3A_1022 = arith.addi %mul3A_1020, %add3A_1021 : vector<16xi32>
        %broadcast_in_dim3A_1023 = vector.shape_cast %add3A_1022 : vector<16xi32> to vector<16x1xi32>
        %gather3A_1024 = vector.shape_cast %broadcast_in_dim3A_1023 : vector<16x1xi32> to vector<16xi32>
        %gather3A_1025 = tpu.dynamic_gather %get3A_117[%gather3A_1024] in [0] : vector<16xf32>, vector<16xi32> -> vector<16xf32>
        %mul3A_1026 = arith.constant 16 : i32
        %mul3A_1027 = arith.muli %scan3A_104, %mul3A_1026 : i32
        %add3A_1028 = arith.addi %mul3A_1027, %scan3A_1017 : i32
        %get3A_1029 = arith.index_cast %add3A_1028 : i32 to index
        %get3A_1030 = arith.constant 0 : index
        %get3A_1031 = tpu.vector_load %arg5[%get3A_1029, %get3A_1030] {strides = array<i32>} : memref<512x128xf32, #tpu.memory_space<vmem>>, vector<1x16xf32>,
        %get3A_1032 = vector.shape_cast %get3A_1031 : vector<1x16xf32> to vector<16xf32>
        %mul3A_1033 = arith.mulf %gather3A_1025, %get3A_1032 : vector<16xf32>
        %add3A_1034 = arith.addf %add3A_974, %mul3A_1033 : vector<16xf32>
        %get3A_1035 = arith.index_cast %add3A_1028 : i32 to index
        %get3A_1036 = arith.constant 16 : index
        %get3A_1037 = tpu.vector_load %arg5[%get3A_1035, %get3A_1036] {strides = array<i32>} : memref<512x128xf32, #tpu.memory_space<vmem>>, vector<1x16xf32>,
        %get3A_1038 = vector.shape_cast %get3A_1037 : vector<1x16xf32> to vector<16xf32>
        %mul3A_1039 = arith.mulf %gather3A_1025, %get3A_1038 : vector<16xf32>
        %add3A_1040 = arith.addf %add3A_980, %mul3A_1039 : vector<16xf32>
        %get3A_1041 = arith.index_cast %add3A_1028 : i32 to index
        %get3A_1042 = arith.constant 32 : index
        %get3A_1043 = tpu.vector_load %arg5[%get3A_1041, %get3A_1042] {strides = array<i32>} : memref<512x128xf32, #tpu.memory_space<vmem>>, vector<1x16xf32>,
        %get3A_1044 = vector.shape_cast %get3A_1043 : vector<1x16xf32> to vector<16xf32>
        %mul3A_1045 = arith.mulf %gather3A_1025, %get3A_1044 : vector<16xf32>
        %add3A_1046 = arith.addf %add3A_986, %mul3A_1045 : vector<16xf32>
        %get3A_1047 = arith.index_cast %add3A_1028 : i32 to index
        %get3A_1048 = arith.constant 48 : index
        %get3A_1049 = tpu.vector_load %arg5[%get3A_1047, %get3A_1048] {strides = array<i32>} : memref<512x128xf32, #tpu.memory_space<vmem>>, vector<1x16xf32>,
        %get3A_1050 = vector.shape_cast %get3A_1049 : vector<1x16xf32> to vector<16xf32>
        %mul3A_1051 = arith.mulf %gather3A_1025, %get3A_1050 : vector<16xf32>
        %add3A_1052 = arith.addf %add3A_992, %mul3A_1051 : vector<16xf32>
        %get3A_1053 = arith.index_cast %add3A_1028 : i32 to index
        %get3A_1054 = arith.constant 64 : index
        %get3A_1055 = tpu.vector_load %arg5[%get3A_1053, %get3A_1054] {strides = array<i32>} : memref<512x128xf32, #tpu.memory_space<vmem>>, vector<1x16xf32>,
        %get3A_1056 = vector.shape_cast %get3A_1055 : vector<1x16xf32> to vector<16xf32>
        %mul3A_1057 = arith.mulf %gather3A_1025, %get3A_1056 : vector<16xf32>
        %add3A_1058 = arith.addf %add3A_998, %mul3A_1057 : vector<16xf32>
        %get3A_1059 = arith.index_cast %add3A_1028 : i32 to index
        %get3A_1060 = arith.constant 80 : index
        %get3A_1061 = tpu.vector_load %arg5[%get3A_1059, %get3A_1060] {strides = array<i32>} : memref<512x128xf32, #tpu.memory_space<vmem>>, vector<1x16xf32>,
        %get3A_1062 = vector.shape_cast %get3A_1061 : vector<1x16xf32> to vector<16xf32>
        %mul3A_1063 = arith.mulf %gather3A_1025, %get3A_1062 : vector<16xf32>
        %add3A_1064 = arith.addf %add3A_1004, %mul3A_1063 : vector<16xf32>
        %get3A_1065 = arith.index_cast %add3A_1028 : i32 to index
        %get3A_1066 = arith.constant 96 : index
        %get3A_1067 = tpu.vector_load %arg5[%get3A_1065, %get3A_1066] {strides = array<i32>} : memref<512x128xf32, #tpu.memory_space<vmem>>, vector<1x16xf32>,
        %get3A_1068 = vector.shape_cast %get3A_1067 : vector<1x16xf32> to vector<16xf32>
        %mul3A_1069 = arith.mulf %gather3A_1025, %get3A_1068 : vector<16xf32>
        %add3A_1070 = arith.addf %add3A_1010, %mul3A_1069 : vector<16xf32>
        %get3A_1071 = arith.index_cast %add3A_1028 : i32 to index
        %get3A_1072 = arith.constant 112 : index
        %get3A_1073 = tpu.vector_load %arg5[%get3A_1071, %get3A_1072] {strides = array<i32>} : memref<512x128xf32, #tpu.memory_space<vmem>>, vector<1x16xf32>,
        %get3A_1074 = vector.shape_cast %get3A_1073 : vector<1x16xf32> to vector<16xf32>
        %mul3A_1075 = arith.mulf %gather3A_1025, %get3A_1074 : vector<16xf32>
        %add3A_1076 = arith.addf %add3A_1016, %mul3A_1075 : vector<16xf32>
        %scan3A_1077 = arith.constant 16 : i32
        scf.yield %add3A_1034, %add3A_1040, %add3A_1046, %add3A_1052, %add3A_1058, %add3A_1064, %add3A_1070, %add3A_1076 : vector<16xf32>, vector<16xf32>, vector<16xf32>, vector<16xf32>, vector<16xf32>, vector<16xf32>, vector<16xf32>, vector<16xf32>
      }
      %scan3A_63 = arith.constant 32 : i32
      %swap3A = arith.index_cast %scan3A_41 : i32 to index
      %swap3A_64 = arith.constant 0 : index
      %swap3A_65 = tpu.vector_load %arg7[%swap3A, %swap3A_64] {strides = array<i32>} : memref<56x128xf32, #tpu.memory_space<vmem>>, vector<1x16xf32>,
      %swap3A_66 = vector.shape_cast %swap3A_65 : vector<1x16xf32> to vector<16xf32>
      %swap3A_67 = vector.shape_cast %scan3A_62#0 : vector<16xf32> to vector<1x16xf32>
      tpu.vector_store %arg7[%swap3A, %swap3A_64], %swap3A_67 {strides = array<i32>} : memref<56x128xf32, #tpu.memory_space<vmem>>, vector<1x16xf32>,
      %swap3A_68 = arith.index_cast %scan3A_41 : i32 to index
      %swap3A_69 = arith.constant 16 : index
      %swap3A_70 = tpu.vector_load %arg7[%swap3A_68, %swap3A_69] {strides = array<i32>} : memref<56x128xf32, #tpu.memory_space<vmem>>, vector<1x16xf32>,
      %swap3A_71 = vector.shape_cast %swap3A_70 : vector<1x16xf32> to vector<16xf32>
      %swap3A_72 = vector.shape_cast %scan3A_62#1 : vector<16xf32> to vector<1x16xf32>
      tpu.vector_store %arg7[%swap3A_68, %swap3A_69], %swap3A_72 {strides = array<i32>} : memref<56x128xf32, #tpu.memory_space<vmem>>, vector<1x16xf32>,
      %swap3A_73 = arith.index_cast %scan3A_41 : i32 to index
      %swap3A_74 = arith.constant 32 : index
      %swap3A_75 = tpu.vector_load %arg7[%swap3A_73, %swap3A_74] {strides = array<i32>} : memref<56x128xf32, #tpu.memory_space<vmem>>, vector<1x16xf32>,
      %swap3A_76 = vector.shape_cast %swap3A_75 : vector<1x16xf32> to vector<16xf32>
      %swap3A_77 = vector.shape_cast %scan3A_62#2 : vector<16xf32> to vector<1x16xf32>
      tpu.vector_store %arg7[%swap3A_73, %swap3A_74], %swap3A_77 {strides = array<i32>} : memref<56x128xf32, #tpu.memory_space<vmem>>, vector<1x16xf32>,
      %swap3A_78 = arith.index_cast %scan3A_41 : i32 to index
      %swap3A_79 = arith.constant 48 : index
      %swap3A_80 = tpu.vector_load %arg7[%swap3A_78, %swap3A_79] {strides = array<i32>} : memref<56x128xf32, #tpu.memory_space<vmem>>, vector<1x16xf32>,
      %swap3A_81 = vector.shape_cast %swap3A_80 : vector<1x16xf32> to vector<16xf32>
      %swap3A_82 = vector.shape_cast %scan3A_62#3 : vector<16xf32> to vector<1x16xf32>
      tpu.vector_store %arg7[%swap3A_78, %swap3A_79], %swap3A_82 {strides = array<i32>} : memref<56x128xf32, #tpu.memory_space<vmem>>, vector<1x16xf32>,
      %swap3A_83 = arith.index_cast %scan3A_41 : i32 to index
      %swap3A_84 = arith.constant 64 : index
      %swap3A_85 = tpu.vector_load %arg7[%swap3A_83, %swap3A_84] {strides = array<i32>} : memref<56x128xf32, #tpu.memory_space<vmem>>, vector<1x16xf32>,
      %swap3A_86 = vector.shape_cast %swap3A_85 : vector<1x16xf32> to vector<16xf32>
      %swap3A_87 = vector.shape_cast %scan3A_62#4 : vector<16xf32> to vector<1x16xf32>
      tpu.vector_store %arg7[%swap3A_83, %swap3A_84], %swap3A_87 {strides = array<i32>} : memref<56x128xf32, #tpu.memory_space<vmem>>, vector<1x16xf32>,
      %swap3A_88 = arith.index_cast %scan3A_41 : i32 to index
      %swap3A_89 = arith.constant 80 : index
      %swap3A_90 = tpu.vector_load %arg7[%swap3A_88, %swap3A_89] {strides = array<i32>} : memref<56x128xf32, #tpu.memory_space<vmem>>, vector<1x16xf32>,
      %swap3A_91 = vector.shape_cast %swap3A_90 : vector<1x16xf32> to vector<16xf32>
      %swap3A_92 = vector.shape_cast %scan3A_62#5 : vector<16xf32> to vector<1x16xf32>
      tpu.vector_store %arg7[%swap3A_88, %swap3A_89], %swap3A_92 {strides = array<i32>} : memref<56x128xf32, #tpu.memory_space<vmem>>, vector<1x16xf32>,
      %swap3A_93 = arith.index_cast %scan3A_41 : i32 to index
      %swap3A_94 = arith.constant 96 : index
      %swap3A_95 = tpu.vector_load %arg7[%swap3A_93, %swap3A_94] {strides = array<i32>} : memref<56x128xf32, #tpu.memory_space<vmem>>, vector<1x16xf32>,
      %swap3A_96 = vector.shape_cast %swap3A_95 : vector<1x16xf32> to vector<16xf32>
      %swap3A_97 = vector.shape_cast %scan3A_62#6 : vector<16xf32> to vector<1x16xf32>
      tpu.vector_store %arg7[%swap3A_93, %swap3A_94], %swap3A_97 {strides = array<i32>} : memref<56x128xf32, #tpu.memory_space<vmem>>, vector<1x16xf32>,
      %swap3A_98 = arith.index_cast %scan3A_41 : i32 to index
      %swap3A_99 = arith.constant 112 : index
      %swap3A_100 = tpu.vector_load %arg7[%swap3A_98, %swap3A_99] {strides = array<i32>} : memref<56x128xf32, #tpu.memory_space<vmem>>, vector<1x16xf32>,
      %swap3A_101 = vector.shape_cast %swap3A_100 : vector<1x16xf32> to vector<16xf32>
      %swap3A_102 = vector.shape_cast %scan3A_62#7 : vector<16xf32> to vector<1x16xf32>
      tpu.vector_store %arg7[%swap3A_98, %swap3A_99], %swap3A_102 {strides = array<i32>} : memref<56x128xf32, #tpu.memory_space<vmem>>, vector<1x16xf32>,
      %scan3A_103 = arith.constant 0 : i32
      scf.yield %scan3A_103 : i32
    }
    %scan3A_38 = arith.constant 56 : i32
    %mul3A_39 = arith.constant 56 : i32
    %mul3A_40 = arith.muli %select_n3A_30, %mul3A_39 : i32
    "tpu.region"() ({
      %run_scoped3A = tpu.sem_alloc : memref<!tpu.dma_semaphore, #tpu.memory_space<semaphore_mem>>
      %dma_start3A = arith.constant 0 : i32
      %dma_start3A_41 = tpu.memref_slice %arg4[%select_n3A_9, %mul3A_40, %dma_start3A] : memref<2x896x128xf32, #tpu.memory_space<hbm>> -> memref<1x56x128xf32, #tpu.memory_space<hbm>>
      %dma_start3A_42 = tpu.memref_squeeze %dma_start3A_41 : memref<1x56x128xf32, #tpu.memory_space<hbm>> -> memref<56x128xf32, #tpu.memory_space<hbm>>
      %dma_start3A_43 = arith.constant 0 : i32
      %dma_start3A_44 = tpu.memref_slice %arg4[%select_n3A_9, %mul3A_40, %dma_start3A_43] : memref<2x896x128xf32, #tpu.memory_space<hbm>> -> memref<1x56x128xf32, #tpu.memory_space<hbm>>
      %dma_start3A_45 = tpu.memref_squeeze %dma_start3A_44 : memref<1x56x128xf32, #tpu.memory_space<hbm>> -> memref<56x128xf32, #tpu.memory_space<hbm>>
      tpu.enqueue_dma source(%arg7 : memref<56x128xf32, #tpu.memory_space<vmem>>) target(%dma_start3A_45 : memref<56x128xf32, #tpu.memory_space<hbm>>) target_semaphore(%run_scoped3A : memref<!tpu.dma_semaphore, #tpu.memory_space<semaphore_mem>>)
      %dma_wait3A = arith.constant 0 : i32
      %dma_wait3A_46 = tpu.memref_slice %arg4[%select_n3A_9, %mul3A_40, %dma_wait3A] : memref<2x896x128xf32, #tpu.memory_space<hbm>> -> memref<1x56x128xf32, #tpu.memory_space<hbm>>
      %dma_wait3A_47 = tpu.memref_squeeze %dma_wait3A_46 : memref<1x56x128xf32, #tpu.memory_space<hbm>> -> memref<56x128xf32, #tpu.memory_space<hbm>>
      %dma_wait3A_48 = arith.constant 0 : i32
      %dma_wait3A_49 = tpu.memref_slice %arg4[%select_n3A_9, %mul3A_40, %dma_wait3A_48] : memref<2x896x128xf32, #tpu.memory_space<hbm>> -> memref<1x56x128xf32, #tpu.memory_space<hbm>>
      %dma_wait3A_50 = tpu.memref_squeeze %dma_wait3A_49 : memref<1x56x128xf32, #tpu.memory_space<hbm>> -> memref<56x128xf32, #tpu.memory_space<hbm>>
      tpu.wait_dma2 semaphore(%run_scoped3A : memref<!tpu.dma_semaphore, #tpu.memory_space<semaphore_mem>>) src(%arg7 : memref<56x128xf32, #tpu.memory_space<vmem>>) dst(%dma_wait3A_50 : memref<56x128xf32, #tpu.memory_space<hbm>>)
      tpu.yield
    }) : () -> ()
    return
  }
}

module attributes {stable_mosaic.version = 14 : i64} {
  func.func @_tc_kernel(%arg0: i32, %arg1: memref<400x256xf32, #tpu.memory_space<vmem>>, %arg2: memref<50x256xf32, #tpu.memory_space<vmem>>, %arg3: memref<256x256xf32, #tpu.memory_space<vmem>>, %arg4: memref<256x256xf32, #tpu.memory_space<vmem>>, %arg5: memref<256x256xf32, #tpu.memory_space<vmem>>, %arg6: memref<256x256xf32, #tpu.memory_space<vmem>>, %arg7: memref<256x1024xf32, #tpu.memory_space<vmem>>, %arg8: memref<1024x256xf32, #tpu.memory_space<vmem>>, %arg9: memref<256x512xf32, #tpu.memory_space<vmem>>, %arg10: memref<8x1x512xf32, #tpu.memory_space<vmem>>) attributes {dimension_semantics = [#tpu.dimension_semantics<arbitrary>], iteration_bounds = array<i64: 2>, scalar_prefetch = 0 : i64, scratch_operands = 0 : i64, tpu.core_type = #tpu.core_type<tc>, window_params = [{transform_indices = @transform_0, window_bounds = array<i64: 400, 256>}, {pipeline_mode = #tpu.pipeline_mode<synchronous>, transform_indices = @transform_1, window_bounds = array<i64: 50, 256>}, {pipeline_mode = #tpu.pipeline_mode<synchronous>, transform_indices = @transform_2, window_bounds = array<i64: 256, 256>}, {pipeline_mode = #tpu.pipeline_mode<synchronous>, transform_indices = @transform_3, window_bounds = array<i64: 256, 256>}, {pipeline_mode = #tpu.pipeline_mode<synchronous>, transform_indices = @transform_4, window_bounds = array<i64: 256, 256>}, {pipeline_mode = #tpu.pipeline_mode<synchronous>, transform_indices = @transform_5, window_bounds = array<i64: 256, 256>}, {pipeline_mode = #tpu.pipeline_mode<synchronous>, transform_indices = @transform_6, window_bounds = array<i64: 256, 1024>}, {pipeline_mode = #tpu.pipeline_mode<synchronous>, transform_indices = @transform_7, window_bounds = array<i64: 1024, 256>}, {pipeline_mode = #tpu.pipeline_mode<synchronous>, transform_indices = @transform_8, window_bounds = array<i64: 256, 512>}, {transform_indices = @transform_9, window_bounds = array<i64: 8, 1, 512>}]} {
    %get3A = arith.constant 0 : index
    %get3A_0 = arith.constant 0 : index
    %get3A_1 = vector.load %arg1[%get3A, %get3A_0] : memref<400x256xf32, #tpu.memory_space<vmem>>, vector<400x256xf32>
    %iota3A = tpu.iota {dimensions = array<i32: 0>} : vector<400x50xi32>
    %jit3A = arith.constant 50 : i32
    %eq3A = arith.constant 0 : i32
    %eq3A_2 = arith.cmpi eq, %jit3A, %eq3A : i32
    %jit3A_3 = arith.constant 1 : i32
    %select_n3A = arith.select %eq3A_2, %jit3A_3, %jit3A : i32
    %rem3A = vector.broadcast %select_n3A : i32 to vector<400x50xi32>
    %rem3A_4 = arith.remsi %iota3A, %rem3A : vector<400x50xi32>
    %ne3A = arith.constant 0 : i32
    %ne3A_5 = vector.broadcast %ne3A : i32 to vector<400x50xi32>
    %ne3A_6 = arith.cmpi ne, %rem3A_4, %ne3A_5 : vector<400x50xi32>
    %lt3A = arith.constant 0 : i32
    %lt3A_7 = vector.broadcast %lt3A : i32 to vector<400x50xi32>
    %lt3A_8 = arith.cmpi slt, %rem3A_4, %lt3A_7 : vector<400x50xi32>
    %lt3A_9 = arith.constant 0 : i32
    %lt3A_10 = arith.cmpi slt, %select_n3A, %lt3A_9 : i32
    %ne3A_11 = vector.broadcast %lt3A_10 : i1 to vector<400x50xi1>
    %ne3A_12 = vector.broadcast %ne3A_11 : vector<400x50xi1> to vector<400x50xi1>
    %ne3A_13 = arith.xori %lt3A_8, %ne3A_12 : vector<400x50xi1>
    %and3A = arith.andi %ne3A_13, %ne3A_6 : vector<400x50xi1>
    %add3A = vector.broadcast %select_n3A : i32 to vector<400x50xi32>
    %add3A_14 = arith.addi %rem3A_4, %add3A : vector<400x50xi32>
    %select_n3A_15 = arith.select %and3A, %add3A_14, %rem3A_4 : vector<400x50xi1>, vector<400x50xi32>
    %iota3A_16 = tpu.iota {dimensions = array<i32: 1>} : vector<400x50xi32>
    %eq3A_17 = arith.cmpi eq, %select_n3A_15, %iota3A_16 : vector<400x50xi32>
    %jit3A_18 = arith.constant 1.000000e+00 : f32
    %jit3A_19 = arith.constant 0.000000e+00 : f32
    %broadcast_in_dim3A = vector.broadcast %jit3A_18 : f32 to vector<400x50xf32>
    %broadcast_in_dim3A_20 = vector.broadcast %jit3A_19 : f32 to vector<400x50xf32>
    %select_n3A_21 = arith.select %eq3A_17, %broadcast_in_dim3A, %broadcast_in_dim3A_20 : vector<400x50xi1>, vector<400x50xf32>
    %get3A_22 = arith.constant 0 : index
    %get3A_23 = arith.constant 0 : index
    %get3A_24 = vector.load %arg2[%get3A_22, %get3A_23] : memref<50x256xf32, #tpu.memory_space<vmem>>, vector<50x256xf32>
    %dot_general3A = arith.constant dense<0.000000e+00> : vector<400x256xf32>
    %dot_general3A_25 = tpu.matmul %select_n3A_21, %get3A_24, %dot_general3A {dimension_numbers = #tpu.dot_dimension_numbers<[1], [0], [0], [1], [0, 0, 1, 1], [], []>, transpose_lhs_hint = false} : vector<400x50xf32>, vector<50x256xf32>, vector<400x256xf32> -> vector<400x256xf32>
    %add3A_26 = arith.addf %get3A_1, %dot_general3A_25 : vector<400x256xf32>
    %get3A_27 = arith.constant 0 : index
    %get3A_28 = arith.constant 0 : index
    %get3A_29 = vector.load %arg3[%get3A_27, %get3A_28] : memref<256x256xf32, #tpu.memory_space<vmem>>, vector<256x256xf32>
    %dot_general3A_30 = arith.constant dense<0.000000e+00> : vector<400x256xf32>
    %dot_general3A_31 = tpu.matmul %add3A_26, %get3A_29, %dot_general3A_30 {dimension_numbers = #tpu.dot_dimension_numbers<[1], [0], [0], [1], [0, 0, 1, 1], [], []>, transpose_lhs_hint = false} : vector<400x256xf32>, vector<256x256xf32>, vector<400x256xf32> -> vector<400x256xf32>
    %get3A_32 = arith.constant 0 : index
    %get3A_33 = arith.constant 0 : index
    %get3A_34 = vector.load %arg4[%get3A_32, %get3A_33] : memref<256x256xf32, #tpu.memory_space<vmem>>, vector<256x256xf32>
    %dot_general3A_35 = arith.constant dense<0.000000e+00> : vector<400x256xf32>
    %dot_general3A_36 = tpu.matmul %add3A_26, %get3A_34, %dot_general3A_35 {dimension_numbers = #tpu.dot_dimension_numbers<[1], [0], [0], [1], [0, 0, 1, 1], [], []>, transpose_lhs_hint = false} : vector<400x256xf32>, vector<256x256xf32>, vector<400x256xf32> -> vector<400x256xf32>
    %get3A_37 = arith.constant 0 : index
    %get3A_38 = arith.constant 0 : index
    %get3A_39 = vector.load %arg5[%get3A_37, %get3A_38] : memref<256x256xf32, #tpu.memory_space<vmem>>, vector<256x256xf32>
    %dot_general3A_40 = arith.constant dense<0.000000e+00> : vector<400x256xf32>
    %dot_general3A_41 = tpu.matmul %add3A_26, %get3A_39, %dot_general3A_40 {dimension_numbers = #tpu.dot_dimension_numbers<[1], [0], [0], [1], [0, 0, 1, 1], [], []>, transpose_lhs_hint = false} : vector<400x256xf32>, vector<256x256xf32>, vector<400x256xf32> -> vector<400x256xf32>
    %dot_general3A_42 = arith.constant dense<0.000000e+00> : vector<400x400xf32>
    %dot_general3A_43 = tpu.matmul %dot_general3A_31, %dot_general3A_36, %dot_general3A_42 {dimension_numbers = #tpu.dot_dimension_numbers<[1], [1], [0], [0], [0, 0, 1, 0], [], []>, transpose_lhs_hint = false} : vector<400x256xf32>, vector<400x256xf32>, vector<400x400xf32> -> vector<400x400xf32>
    %sqrt3A = arith.constant 2.560000e+02 : f32
    %sqrt3A_44 = math.sqrt %sqrt3A : f32
    %div3A = arith.constant 1.000000e+00 : f32
    %div3A_45 = arith.divf %div3A, %sqrt3A_44 : f32
    %mul3A = vector.broadcast %div3A_45 : f32 to vector<400x400xf32>
    %mul3A_46 = arith.mulf %dot_general3A_43, %mul3A : vector<400x400xf32>
    %iota3A_47 = tpu.iota {dimensions = array<i32: 0>} : vector<400x400xi32>
    %jit3A_48 = arith.constant 50 : i32
    %div3A_49 = vector.broadcast %jit3A_48 : i32 to vector<400x400xi32>
    %div3A_50 = arith.divsi %iota3A_47, %div3A_49 : vector<400x400xi32>
    %sign3A = arith.constant 0 : i32
    %sign3A_51 = vector.broadcast %sign3A : i32 to vector<400x400xi32>
    %sign3A_52 = arith.cmpi sgt, %iota3A_47, %sign3A_51 : vector<400x400xi32>
    %sign3A_53 = arith.extui %sign3A_52 : vector<400x400xi1> to vector<400x400xi32>
    %sign3A_54 = arith.constant 0 : i32
    %sign3A_55 = vector.broadcast %sign3A_54 : i32 to vector<400x400xi32>
    %sign3A_56 = arith.cmpi slt, %iota3A_47, %sign3A_55 : vector<400x400xi32>
    %sign3A_57 = arith.extui %sign3A_56 : vector<400x400xi1> to vector<400x400xi32>
    %sign3A_58 = arith.subi %sign3A_53, %sign3A_57 : vector<400x400xi32>
    %sign3A_59 = arith.constant 0 : i32
    %sign3A_60 = arith.cmpi sgt, %jit3A_48, %sign3A_59 : i32
    %sign3A_61 = arith.extui %sign3A_60 : i1 to i32
    %sign3A_62 = arith.constant 0 : i32
    %sign3A_63 = arith.cmpi slt, %jit3A_48, %sign3A_62 : i32
    %sign3A_64 = arith.extui %sign3A_63 : i1 to i32
    %sign3A_65 = arith.subi %sign3A_61, %sign3A_64 : i32
    %ne3A_66 = vector.broadcast %sign3A_65 : i32 to vector<400x400xi32>
    %ne3A_67 = arith.cmpi ne, %sign3A_58, %ne3A_66 : vector<400x400xi32>
    %rem3A_68 = vector.broadcast %jit3A_48 : i32 to vector<400x400xi32>
    %rem3A_69 = arith.remsi %iota3A_47, %rem3A_68 : vector<400x400xi32>
    %ne3A_70 = arith.constant 0 : i32
    %ne3A_71 = vector.broadcast %ne3A_70 : i32 to vector<400x400xi32>
    %ne3A_72 = arith.cmpi ne, %rem3A_69, %ne3A_71 : vector<400x400xi32>
    %and3A_73 = arith.andi %ne3A_67, %ne3A_72 : vector<400x400xi1>
    %sub3A = arith.constant 1 : i32
    %sub3A_74 = vector.broadcast %sub3A : i32 to vector<400x400xi32>
    %sub3A_75 = arith.subi %div3A_50, %sub3A_74 : vector<400x400xi32>
    %select_n3A_76 = arith.select %and3A_73, %sub3A_75, %div3A_50 : vector<400x400xi1>, vector<400x400xi32>
    %iota3A_77 = tpu.iota {dimensions = array<i32: 1>} : vector<400x400xi32>
    %jit3A_78 = arith.constant 50 : i32
    %div3A_79 = vector.broadcast %jit3A_78 : i32 to vector<400x400xi32>
    %div3A_80 = arith.divsi %iota3A_77, %div3A_79 : vector<400x400xi32>
    %sign3A_81 = arith.constant 0 : i32
    %sign3A_82 = vector.broadcast %sign3A_81 : i32 to vector<400x400xi32>
    %sign3A_83 = arith.cmpi sgt, %iota3A_77, %sign3A_82 : vector<400x400xi32>
    %sign3A_84 = arith.extui %sign3A_83 : vector<400x400xi1> to vector<400x400xi32>
    %sign3A_85 = arith.constant 0 : i32
    %sign3A_86 = vector.broadcast %sign3A_85 : i32 to vector<400x400xi32>
    %sign3A_87 = arith.cmpi slt, %iota3A_77, %sign3A_86 : vector<400x400xi32>
    %sign3A_88 = arith.extui %sign3A_87 : vector<400x400xi1> to vector<400x400xi32>
    %sign3A_89 = arith.subi %sign3A_84, %sign3A_88 : vector<400x400xi32>
    %sign3A_90 = arith.constant 0 : i32
    %sign3A_91 = arith.cmpi sgt, %jit3A_78, %sign3A_90 : i32
    %sign3A_92 = arith.extui %sign3A_91 : i1 to i32
    %sign3A_93 = arith.constant 0 : i32
    %sign3A_94 = arith.cmpi slt, %jit3A_78, %sign3A_93 : i32
    %sign3A_95 = arith.extui %sign3A_94 : i1 to i32
    %sign3A_96 = arith.subi %sign3A_92, %sign3A_95 : i32
    %ne3A_97 = vector.broadcast %sign3A_96 : i32 to vector<400x400xi32>
    %ne3A_98 = arith.cmpi ne, %sign3A_89, %ne3A_97 : vector<400x400xi32>
    %rem3A_99 = vector.broadcast %jit3A_78 : i32 to vector<400x400xi32>
    %rem3A_100 = arith.remsi %iota3A_77, %rem3A_99 : vector<400x400xi32>
    %ne3A_101 = arith.constant 0 : i32
    %ne3A_102 = vector.broadcast %ne3A_101 : i32 to vector<400x400xi32>
    %ne3A_103 = arith.cmpi ne, %rem3A_100, %ne3A_102 : vector<400x400xi32>
    %and3A_104 = arith.andi %ne3A_98, %ne3A_103 : vector<400x400xi1>
    %sub3A_105 = arith.constant 1 : i32
    %sub3A_106 = vector.broadcast %sub3A_105 : i32 to vector<400x400xi32>
    %sub3A_107 = arith.subi %div3A_80, %sub3A_106 : vector<400x400xi32>
    %select_n3A_108 = arith.select %and3A_104, %sub3A_107, %div3A_80 : vector<400x400xi1>, vector<400x400xi32>
    %eq3A_109 = arith.cmpi eq, %select_n3A_76, %select_n3A_108 : vector<400x400xi32>
    %jit3A_110 = arith.constant -1.000000e+30 : f32
    %broadcast_in_dim3A_111 = vector.broadcast %jit3A_110 : f32 to vector<400x400xf32>
    %select_n3A_112 = arith.select %eq3A_109, %mul3A_46, %broadcast_in_dim3A_111 : vector<400x400xi1>, vector<400x400xf32>
    %reduce_max3A = arith.constant dense<0xFF800000> : vector<400xf32>
    %reduce_max3A_113 = vector.multi_reduction <maximumf>, %select_n3A_112, %reduce_max3A [1] : vector<400x400xf32> to vector<400xf32>
    %broadcast_in_dim3A_114 = vector.shape_cast %reduce_max3A_113 : vector<400xf32> to vector<400x1xf32>
    %sub3A_115 = vector.broadcast %broadcast_in_dim3A_114 : vector<400x1xf32> to vector<400x400xf32>
    %sub3A_116 = arith.subf %select_n3A_112, %sub3A_115 : vector<400x400xf32>
    %exp3A = math.exp %sub3A_116 : vector<400x400xf32>
    %reduce_sum3A = arith.constant dense<0.000000e+00> : vector<400xf32>
    %reduce_sum3A_117 = vector.multi_reduction <add>, %exp3A, %reduce_sum3A [1] : vector<400x400xf32> to vector<400xf32>
    %broadcast_in_dim3A_118 = vector.shape_cast %reduce_sum3A_117 : vector<400xf32> to vector<400x1xf32>
    %div3A_119 = vector.broadcast %broadcast_in_dim3A_118 : vector<400x1xf32> to vector<400x400xf32>
    %div3A_120 = arith.divf %exp3A, %div3A_119 : vector<400x400xf32>
    %dot_general3A_121 = arith.constant dense<0.000000e+00> : vector<400x256xf32>
    %dot_general3A_122 = tpu.matmul %div3A_120, %dot_general3A_41, %dot_general3A_121 {dimension_numbers = #tpu.dot_dimension_numbers<[1], [0], [0], [1], [0, 0, 1, 1], [], []>, transpose_lhs_hint = false} : vector<400x400xf32>, vector<400x256xf32>, vector<400x256xf32> -> vector<400x256xf32>
    %get3A_123 = arith.constant 0 : index
    %get3A_124 = arith.constant 0 : index
    %get3A_125 = vector.load %arg6[%get3A_123, %get3A_124] : memref<256x256xf32, #tpu.memory_space<vmem>>, vector<256x256xf32>
    %dot_general3A_126 = arith.constant dense<0.000000e+00> : vector<400x256xf32>
    %dot_general3A_127 = tpu.matmul %dot_general3A_122, %get3A_125, %dot_general3A_126 {dimension_numbers = #tpu.dot_dimension_numbers<[1], [0], [0], [1], [0, 0, 1, 1], [], []>, transpose_lhs_hint = false} : vector<400x256xf32>, vector<256x256xf32>, vector<400x256xf32> -> vector<400x256xf32>
    %add3A_128 = arith.addf %add3A_26, %dot_general3A_127 : vector<400x256xf32>
    %reduce_sum3A_129 = arith.constant dense<0.000000e+00> : vector<400xf32>
    %reduce_sum3A_130 = vector.multi_reduction <add>, %add3A_128, %reduce_sum3A_129 [1] : vector<400x256xf32> to vector<400xf32>
    %broadcast_in_dim3A_131 = vector.shape_cast %reduce_sum3A_130 : vector<400xf32> to vector<400x1xf32>
    %div3A_132 = arith.constant 2.560000e+02 : f32
    %div3A_133 = vector.broadcast %div3A_132 : f32 to vector<400x1xf32>
    %div3A_134 = arith.divf %broadcast_in_dim3A_131, %div3A_133 : vector<400x1xf32>
    %jit3A_135 = arith.constant 0 : i32
    %reduce_sum3A_136 = arith.constant dense<0.000000e+00> : vector<400xf32>
    %reduce_sum3A_137 = vector.multi_reduction <add>, %add3A_128, %reduce_sum3A_136 [1] : vector<400x256xf32> to vector<400xf32>
    %broadcast_in_dim3A_138 = vector.shape_cast %reduce_sum3A_137 : vector<400xf32> to vector<400x1xf32>
    %div3A_139 = arith.constant 2.560000e+02 : f32
    %div3A_140 = vector.broadcast %div3A_139 : f32 to vector<400x1xf32>
    %div3A_141 = arith.divf %broadcast_in_dim3A_138, %div3A_140 : vector<400x1xf32>
    %sub3A_142 = vector.broadcast %div3A_141 : vector<400x1xf32> to vector<400x256xf32>
    %sub3A_143 = arith.subf %add3A_128, %sub3A_142 : vector<400x256xf32>
    %square3A = arith.mulf %sub3A_143, %sub3A_143 : vector<400x256xf32>
    %convert_element_type3A = arith.sitofp %jit3A_135 : i32 to f32
    %sub3A_144 = arith.constant 2.560000e+02 : f32
    %sub3A_145 = arith.subf %sub3A_144, %convert_element_type3A : f32
    %reduce_sum3A_146 = arith.constant dense<0.000000e+00> : vector<400xf32>
    %reduce_sum3A_147 = vector.multi_reduction <add>, %square3A, %reduce_sum3A_146 [1] : vector<400x256xf32> to vector<400xf32>
    %broadcast_in_dim3A_148 = vector.shape_cast %reduce_sum3A_147 : vector<400xf32> to vector<400x1xf32>
    %div3A_149 = vector.broadcast %sub3A_145 : f32 to vector<400x1xf32>
    %div3A_150 = arith.divf %broadcast_in_dim3A_148, %div3A_149 : vector<400x1xf32>
    %gt3A = arith.constant 0.000000e+00 : f32
    %gt3A_151 = arith.cmpf ogt, %sub3A_145, %gt3A : f32
    %jit3A_152 = arith.constant 0x7FC00000 : f32
    %broadcast_in_dim3A_153 = vector.broadcast %jit3A_152 : f32 to vector<400x1xf32>
    %select_n3A_154 = arith.select %gt3A_151, %div3A_150, %broadcast_in_dim3A_153 : vector<400x1xf32>
    %sub3A_155 = vector.broadcast %div3A_134 : vector<400x1xf32> to vector<400x256xf32>
    %sub3A_156 = arith.subf %add3A_128, %sub3A_155 : vector<400x256xf32>
    %add3A_157 = arith.constant 9.99999974E-6 : f32
    %add3A_158 = vector.broadcast %add3A_157 : f32 to vector<400x1xf32>
    %add3A_159 = arith.addf %select_n3A_154, %add3A_158 : vector<400x1xf32>
    %sqrt3A_160 = math.sqrt %add3A_159 : vector<400x1xf32>
    %div3A_161 = vector.broadcast %sqrt3A_160 : vector<400x1xf32> to vector<400x256xf32>
    %div3A_162 = arith.divf %sub3A_156, %div3A_161 : vector<400x256xf32>
    %get3A_163 = arith.constant 0 : index
    %get3A_164 = arith.constant 0 : index
    %get3A_165 = vector.load %arg7[%get3A_163, %get3A_164] : memref<256x1024xf32, #tpu.memory_space<vmem>>, vector<256x1024xf32>
    %dot_general3A_166 = arith.constant dense<0.000000e+00> : vector<400x1024xf32>
    %dot_general3A_167 = tpu.matmul %div3A_162, %get3A_165, %dot_general3A_166 {dimension_numbers = #tpu.dot_dimension_numbers<[1], [0], [0], [1], [0, 0, 1, 1], [], []>, transpose_lhs_hint = false} : vector<400x256xf32>, vector<256x1024xf32>, vector<400x1024xf32> -> vector<400x1024xf32>
    %max3A = arith.constant 0.000000e+00 : f32
    %max3A_168 = vector.broadcast %max3A : f32 to vector<400x1024xf32>
    %max3A_169 = arith.maximumf %dot_general3A_167, %max3A_168 : vector<400x1024xf32>
    %get3A_170 = arith.constant 0 : index
    %get3A_171 = arith.constant 0 : index
    %get3A_172 = vector.load %arg8[%get3A_170, %get3A_171] : memref<1024x256xf32, #tpu.memory_space<vmem>>, vector<1024x256xf32>
    %dot_general3A_173 = arith.constant dense<0.000000e+00> : vector<400x256xf32>
    %dot_general3A_174 = tpu.matmul %max3A_169, %get3A_172, %dot_general3A_173 {dimension_numbers = #tpu.dot_dimension_numbers<[1], [0], [0], [1], [0, 0, 1, 1], [], []>, transpose_lhs_hint = false} : vector<400x1024xf32>, vector<1024x256xf32>, vector<400x256xf32> -> vector<400x256xf32>
    %add3A_175 = arith.addf %div3A_162, %dot_general3A_174 : vector<400x256xf32>
    %reduce_sum3A_176 = arith.constant dense<0.000000e+00> : vector<400xf32>
    %reduce_sum3A_177 = vector.multi_reduction <add>, %add3A_175, %reduce_sum3A_176 [1] : vector<400x256xf32> to vector<400xf32>
    %broadcast_in_dim3A_178 = vector.shape_cast %reduce_sum3A_177 : vector<400xf32> to vector<400x1xf32>
    %div3A_179 = arith.constant 2.560000e+02 : f32
    %div3A_180 = vector.broadcast %div3A_179 : f32 to vector<400x1xf32>
    %div3A_181 = arith.divf %broadcast_in_dim3A_178, %div3A_180 : vector<400x1xf32>
    %jit3A_182 = arith.constant 0 : i32
    %reduce_sum3A_183 = arith.constant dense<0.000000e+00> : vector<400xf32>
    %reduce_sum3A_184 = vector.multi_reduction <add>, %add3A_175, %reduce_sum3A_183 [1] : vector<400x256xf32> to vector<400xf32>
    %broadcast_in_dim3A_185 = vector.shape_cast %reduce_sum3A_184 : vector<400xf32> to vector<400x1xf32>
    %div3A_186 = arith.constant 2.560000e+02 : f32
    %div3A_187 = vector.broadcast %div3A_186 : f32 to vector<400x1xf32>
    %div3A_188 = arith.divf %broadcast_in_dim3A_185, %div3A_187 : vector<400x1xf32>
    %sub3A_189 = vector.broadcast %div3A_188 : vector<400x1xf32> to vector<400x256xf32>
    %sub3A_190 = arith.subf %add3A_175, %sub3A_189 : vector<400x256xf32>
    %square3A_191 = arith.mulf %sub3A_190, %sub3A_190 : vector<400x256xf32>
    %convert_element_type3A_192 = arith.sitofp %jit3A_182 : i32 to f32
    %sub3A_193 = arith.constant 2.560000e+02 : f32
    %sub3A_194 = arith.subf %sub3A_193, %convert_element_type3A_192 : f32
    %reduce_sum3A_195 = arith.constant dense<0.000000e+00> : vector<400xf32>
    %reduce_sum3A_196 = vector.multi_reduction <add>, %square3A_191, %reduce_sum3A_195 [1] : vector<400x256xf32> to vector<400xf32>
    %broadcast_in_dim3A_197 = vector.shape_cast %reduce_sum3A_196 : vector<400xf32> to vector<400x1xf32>
    %div3A_198 = vector.broadcast %sub3A_194 : f32 to vector<400x1xf32>
    %div3A_199 = arith.divf %broadcast_in_dim3A_197, %div3A_198 : vector<400x1xf32>
    %gt3A_200 = arith.constant 0.000000e+00 : f32
    %gt3A_201 = arith.cmpf ogt, %sub3A_194, %gt3A_200 : f32
    %jit3A_202 = arith.constant 0x7FC00000 : f32
    %broadcast_in_dim3A_203 = vector.broadcast %jit3A_202 : f32 to vector<400x1xf32>
    %select_n3A_204 = arith.select %gt3A_201, %div3A_199, %broadcast_in_dim3A_203 : vector<400x1xf32>
    %sub3A_205 = vector.broadcast %div3A_181 : vector<400x1xf32> to vector<400x256xf32>
    %sub3A_206 = arith.subf %add3A_175, %sub3A_205 : vector<400x256xf32>
    %add3A_207 = arith.constant 9.99999974E-6 : f32
    %add3A_208 = vector.broadcast %add3A_207 : f32 to vector<400x1xf32>
    %add3A_209 = arith.addf %select_n3A_204, %add3A_208 : vector<400x1xf32>
    %sqrt3A_210 = math.sqrt %add3A_209 : vector<400x1xf32>
    %div3A_211 = vector.broadcast %sqrt3A_210 : vector<400x1xf32> to vector<400x256xf32>
    %div3A_212 = arith.divf %sub3A_206, %div3A_211 : vector<400x256xf32>
    %iota3A_213 = tpu.iota {dimensions = array<i32: 0>} : vector<8x400xi32>
    %iota3A_214 = tpu.iota {dimensions = array<i32: 1>} : vector<8x400xi32>
    %jit3A_215 = arith.constant 50 : i32
    %div3A_216 = vector.broadcast %jit3A_215 : i32 to vector<8x400xi32>
    %div3A_217 = arith.divsi %iota3A_214, %div3A_216 : vector<8x400xi32>
    %sign3A_218 = arith.constant 0 : i32
    %sign3A_219 = vector.broadcast %sign3A_218 : i32 to vector<8x400xi32>
    %sign3A_220 = arith.cmpi sgt, %iota3A_214, %sign3A_219 : vector<8x400xi32>
    %sign3A_221 = arith.extui %sign3A_220 : vector<8x400xi1> to vector<8x400xi32>
    %sign3A_222 = arith.constant 0 : i32
    %sign3A_223 = vector.broadcast %sign3A_222 : i32 to vector<8x400xi32>
    %sign3A_224 = arith.cmpi slt, %iota3A_214, %sign3A_223 : vector<8x400xi32>
    %sign3A_225 = arith.extui %sign3A_224 : vector<8x400xi1> to vector<8x400xi32>
    %sign3A_226 = arith.subi %sign3A_221, %sign3A_225 : vector<8x400xi32>
    %sign3A_227 = arith.constant 0 : i32
    %sign3A_228 = arith.cmpi sgt, %jit3A_215, %sign3A_227 : i32
    %sign3A_229 = arith.extui %sign3A_228 : i1 to i32
    %sign3A_230 = arith.constant 0 : i32
    %sign3A_231 = arith.cmpi slt, %jit3A_215, %sign3A_230 : i32
    %sign3A_232 = arith.extui %sign3A_231 : i1 to i32
    %sign3A_233 = arith.subi %sign3A_229, %sign3A_232 : i32
    %ne3A_234 = vector.broadcast %sign3A_233 : i32 to vector<8x400xi32>
    %ne3A_235 = arith.cmpi ne, %sign3A_226, %ne3A_234 : vector<8x400xi32>
    %rem3A_236 = vector.broadcast %jit3A_215 : i32 to vector<8x400xi32>
    %rem3A_237 = arith.remsi %iota3A_214, %rem3A_236 : vector<8x400xi32>
    %ne3A_238 = arith.constant 0 : i32
    %ne3A_239 = vector.broadcast %ne3A_238 : i32 to vector<8x400xi32>
    %ne3A_240 = arith.cmpi ne, %rem3A_237, %ne3A_239 : vector<8x400xi32>
    %and3A_241 = arith.andi %ne3A_235, %ne3A_240 : vector<8x400xi1>
    %sub3A_242 = arith.constant 1 : i32
    %sub3A_243 = vector.broadcast %sub3A_242 : i32 to vector<8x400xi32>
    %sub3A_244 = arith.subi %div3A_217, %sub3A_243 : vector<8x400xi32>
    %select_n3A_245 = arith.select %and3A_241, %sub3A_244, %div3A_217 : vector<8x400xi1>, vector<8x400xi32>
    %eq3A_246 = arith.cmpi eq, %iota3A_213, %select_n3A_245 : vector<8x400xi32>
    %jit3A_247 = arith.constant 2.000000e-02 : f32
    %jit3A_248 = arith.constant 0.000000e+00 : f32
    %broadcast_in_dim3A_249 = vector.broadcast %jit3A_247 : f32 to vector<8x400xf32>
    %broadcast_in_dim3A_250 = vector.broadcast %jit3A_248 : f32 to vector<8x400xf32>
    %select_n3A_251 = arith.select %eq3A_246, %broadcast_in_dim3A_249, %broadcast_in_dim3A_250 : vector<8x400xi1>, vector<8x400xf32>
    %dot_general3A_252 = arith.constant dense<0.000000e+00> : vector<8x256xf32>
    %dot_general3A_253 = tpu.matmul %select_n3A_251, %div3A_212, %dot_general3A_252 {dimension_numbers = #tpu.dot_dimension_numbers<[1], [0], [0], [1], [0, 0, 1, 1], [], []>, transpose_lhs_hint = false} : vector<8x400xf32>, vector<400x256xf32>, vector<8x256xf32> -> vector<8x256xf32>
    %get3A_254 = arith.constant 0 : index
    %get3A_255 = arith.constant 0 : index
    %get3A_256 = vector.load %arg9[%get3A_254, %get3A_255] : memref<256x512xf32, #tpu.memory_space<vmem>>, vector<256x512xf32>
    %dot_general3A_257 = arith.constant dense<0.000000e+00> : vector<8x512xf32>
    %dot_general3A_258 = tpu.matmul %dot_general3A_253, %get3A_256, %dot_general3A_257 {dimension_numbers = #tpu.dot_dimension_numbers<[1], [0], [0], [1], [0, 0, 1, 1], [], []>, transpose_lhs_hint = false} : vector<8x256xf32>, vector<256x512xf32>, vector<8x512xf32> -> vector<8x512xf32>
    %swap3A = arith.constant 0 : index
    %swap3A_259 = arith.constant 0 : index
    %swap3A_260 = arith.constant 0 : index
    %swap3A_261 = vector.load %arg10[%swap3A, %swap3A_259, %swap3A_260] : memref<8x1x512xf32, #tpu.memory_space<vmem>>, vector<8x1x512xf32>
    %swap3A_262 = vector.shape_cast %swap3A_261 : vector<8x1x512xf32> to vector<8x512xf32>
    %swap3A_263 = vector.shape_cast %dot_general3A_258 : vector<8x512xf32> to vector<8x1x512xf32>
    tpu.vector_store %arg10[%swap3A, %swap3A_259, %swap3A_260], %swap3A_263 {strides = array<i32>} : memref<8x1x512xf32, #tpu.memory_space<vmem>>, vector<8x1x512xf32>,
    return
  }
  func.func @transform_0(%arg0: i32) -> (i32, i32) {
    %c0_i32 = arith.constant 0 : i32
    %c0_i32_0 = arith.constant 0 : i32
    return %arg0, %c0_i32 : i32, i32
  }
  func.func @transform_1(%arg0: i32) -> (i32, i32) {
    %c0_i32 = arith.constant 0 : i32
    %c0_i32_0 = arith.constant 0 : i32
    %c0_i32_1 = arith.constant 0 : i32
    return %c0_i32, %c0_i32_0 : i32, i32
  }
  func.func @transform_2(%arg0: i32) -> (i32, i32) {
    %c0_i32 = arith.constant 0 : i32
    %c0_i32_0 = arith.constant 0 : i32
    %c0_i32_1 = arith.constant 0 : i32
    return %c0_i32, %c0_i32_0 : i32, i32
  }
  func.func @transform_3(%arg0: i32) -> (i32, i32) {
    %c0_i32 = arith.constant 0 : i32
    %c0_i32_0 = arith.constant 0 : i32
    %c0_i32_1 = arith.constant 0 : i32
    return %c0_i32, %c0_i32_0 : i32, i32
  }
  func.func @transform_4(%arg0: i32) -> (i32, i32) {
    %c0_i32 = arith.constant 0 : i32
    %c0_i32_0 = arith.constant 0 : i32
    %c0_i32_1 = arith.constant 0 : i32
    return %c0_i32, %c0_i32_0 : i32, i32
  }
  func.func @transform_5(%arg0: i32) -> (i32, i32) {
    %c0_i32 = arith.constant 0 : i32
    %c0_i32_0 = arith.constant 0 : i32
    %c0_i32_1 = arith.constant 0 : i32
    return %c0_i32, %c0_i32_0 : i32, i32
  }
  func.func @transform_6(%arg0: i32) -> (i32, i32) {
    %c0_i32 = arith.constant 0 : i32
    %c0_i32_0 = arith.constant 0 : i32
    %c0_i32_1 = arith.constant 0 : i32
    return %c0_i32, %c0_i32_0 : i32, i32
  }
  func.func @transform_7(%arg0: i32) -> (i32, i32) {
    %c0_i32 = arith.constant 0 : i32
    %c0_i32_0 = arith.constant 0 : i32
    %c0_i32_1 = arith.constant 0 : i32
    return %c0_i32, %c0_i32_0 : i32, i32
  }
  func.func @transform_8(%arg0: i32) -> (i32, i32) {
    %c0_i32 = arith.constant 0 : i32
    %c0_i32_0 = arith.constant 0 : i32
    %c0_i32_1 = arith.constant 0 : i32
    return %c0_i32, %c0_i32_0 : i32, i32
  }
  func.func @transform_9(%arg0: i32) -> (i32, i32, i32) {
    %c0_i32 = arith.constant 0 : i32
    %c0_i32_0 = arith.constant 0 : i32
    %c0_i32_1 = arith.constant 0 : i32
    return %arg0, %c0_i32, %c0_i32_0 : i32, i32, i32
  }
}

</mosaic_0001>

<sc_bundles>
// kernel: _run.4.cloned.1.call-start
scs
__scs_entry_jumppad:
0x0: {  	(pc) =	sbr.rel $0x88, $3  }
0x1: {  	(tag) =	ssettag $0x0;
	lr =	simm.s32 $0x1  }
0x2: {  	[smem:$0x3F97] =	sst lr;
	_ =	strace $0xD0000000  }
0x3: {  	_ = 	snop  }
0x4: {  	_ = 	snop  }
0x5: {  	_ = 	snop  }
0x6: {  	_ = 	snop  }
0x7: {  	_ = 	snop  }
__scs_overlays_trampoline_lowered:
0x8: {  	[smem:$0x3FA6] =	sst s0  }
0x9: {  	[smem:$0x3FA7] =	sst s1  }
0xa: {  	[smem:$0x3FA8] =	sst s2  }
0xb: {  	[smem:$0x3FA9] =	sst s3  }
0xc: {  	[smem:$0x3FAA] =	sst s4  }
0xd: {  	[smem:$0x3FAB] =	sst s5  }
0xe: {  	[smem:$0x3FAC] =	sst s6  }
0xf: {  	[smem:$0x3FAD] =	sst s7  }
0x10: {  	[smem:$0x3FAE] =	sst s8  }
0x11: {  	[smem:$0x3FAF] =	sst s9;
	s0 =	simm.s32 @!p0 $0x0  }
0x12: {  	s1 =	sld [smem:$0x3F95];
	s0 =	simm.s32 @p0 $0x1  }
0x13: {  	[smem:$0x3FB0] =	sst s0;
	s0 =	simm.s32 @!p1 $0x0  }
0x14: {  	s2 =	sld [smem:$0x3F94];
	s0 =	simm.s32 @p1 $0x1  }
0x15: {  	[smem:$0x3FB1] =	sst s0;
	s0 =	simm.s32 @!p2 $0x0  }
0x16: {  	s3 =	sld [smem:$0x3FDB];
	s0 =	simm.s32 @p2 $0x1  }
0x17: {  	s4 =	simm.s32 $0x1BF5;
	[smem:$0x3FB3] =	sst s0  }
0x18: {  	s0 =	sld [smem:$0x3F96];
	_ =	swait.ge [sflag:s4], $0x0  }
0x19: {  	s7 =	sld [smem:$0x3F97]  }
0x1a: {  	s8 =	sadd.s32 $0xFFFFE003, lr  }
0x1b: {  	s9 =	sadd.s32 $0xFFFFFEF7, lr;
	s5 =	simm.s32 $0xFFFFFFFF;
	p2 =	slt.u32 s8, $0xFFFFF086  }
0x1c: {  	p1 =	slt.u32 s9, $0xF7A;
	s5 =	simm.s32 @!p2 $0x0  }
0x1d: {  	s5 =	simm.s32 @p1 $0x1;
	p0 =	seq.s32 s7, s2  }
0x1e: {  	s7 =	smul.u32 @!p0 $0xF7A, s2;
	p2 =	seq.s32 @!p0 s5, $0x0  }
0x1f: {  	s9 =	smul.u32 $0xF7A, s1;
	s8 =	simm.s32 @!p0 $0x1BF5;
	p2 =	por !p2, p0  }
0x20: {  	[sflag:s8] =	ssyncset.s32 @!p0 $0xFFFFF086;
	s6 =	sadd.s32 @!p0 s3, s7;
	s7 =	simm.s32 @!p0 $0x108  }
0x21: {  	s3 =	sadd.s32 s3, s9;
	s6 =	sadd.s32 @!p0 $0x88, s6;
	s7 =	simm.s32 @p2 $0x1082  }
0x22: {  	[simem:s7], [sflag:s8] =	dma.local @!p0 [hbm:s6], $0xF7A  }
0x23: {  	s9 =	sor.u32 $0xD0000000, s2;
	s6 =	simm.s32 $0x108;
	_ =	swait.ge @!p0 [sflag:s8], $0x0  }
0x24: {  	s3 =	sadd.s32 $0x88, s3;
	s6 =	simm.s32 @!p1 $0x1082;
	[sflag:s4] =	ssyncset.s32 $0xFFFFF086  }
0x25: {  	[simem:s6], [sflag:s4] =	dma.local [hbm:s3], $0xF7A  }
0x26: {  	[smem:$0x3F97] =	sst s1;
	(tag) =	ssettag s2;
	_ =	strace s9  }
0x27: {  	s1 =	sld [smem:$0x3FA7]  }
0x28: {  	s2 =	sld [smem:$0x3FA8]  }
0x29: {  	s4 =	sld [smem:$0x3FAA]  }
0x2a: {  	p0 =	seq.s32 s5, $0x0;
	s5 =	sld [smem:$0x3FAB]  }
0x2b: {  	s6 =	sld [smem:$0x3FAC]  }
0x2c: {  	s7 =	sld [smem:$0x3FAD]  }
0x2d: {  	s3 =	simm.s32 $0x108;
	s8 =	sld [smem:$0x3FAE]  }
0x2e: {  	s3 =	simm.s32 @!p0 $0x1082;
	s9 =	sld [smem:$0x3FAF]  }
0x2f: {  	lr =	sadd.s32 s0, s3;
	s0 =	sld [smem:$0x3FA6]  }
0x30: {  	s3 =	sld [smem:$0x3FA9]  }
0x31: {  	[smem:$0x3FB2] =	sst s10  }
0x32: {  	s10 =	sld [smem:$0x3FB0];
	_ =	sdelay $0x3  }
0x33: {  	p0 =	seq.s32 s10, $0x1;
	s10 =	sld [smem:$0x3FB2];
	_ =	sdelay $0x3  }
0x34: {  	[smem:$0x3FB2] =	sst s10  }
0x35: {  	s10 =	sld [smem:$0x3FB1];
	_ =	sdelay $0x3  }
0x36: {  	p1 =	seq.s32 s10, $0x1;
	s10 =	sld [smem:$0x3FB2];
	_ =	sdelay $0x3  }
0x37: {  	[smem:$0x3FB2] =	sst s10  }
0x38: {  	s10 =	sld [smem:$0x3FB3]  }
0x39: {  	_ = 	snop;
	(pc) =	sbr.ind lr, $3  }
0x3a: {  	_ = 	snop  }
0x3b: {  	_ = 	snop  }
0x3c: {  	p2 =	seq.s32 s10, $0x1;
	s10 =	sld [smem:$0x3FB2]  }
0x3d: {  	_ =	shalt  }
0x3e: {  	_ =	shalt  }
0x3f: {  	_ =	shalt  }
0x40: {  	_ =	shalt  }
0x41: {  	_ =	shalt  }
0x42: {  	_ =	shalt  }
0x43: {  	_ =	shalt  }
0x44: {  	_ =	shalt  }
0x45: {  	_ =	shalt  }
0x46: {  	_ =	shalt  }
0x47: {  	_ =	shalt  }
0x48: {  	_ =	shalt  }
0x49: {  	_ =	shalt  }
0x4a: {  	_ =	shalt  }
0x4b: {  	_ =	shalt  }
0x4c: {  	_ =	shalt  }
0x4d: {  	_ =	shalt  }
0x4e: {  	_ =	shalt  }
0x4f: {  	_ =	shalt  }
0x50: {  	_ =	shalt  }
0x51: {  	_ =	shalt  }
0x52: {  	_ =	shalt  }
0x53: {  	_ =	shalt  }
0x54: {  	_ =	shalt  }
0x55: {  	_ =	shalt  }
0x56: {  	_ =	shalt  }
0x57: {  	_ =	shalt  }
0x58: {  	_ =	shalt  }
0x59: {  	_ =	shalt  }
0x5a: {  	_ =	shalt  }
0x5b: {  	_ =	shalt  }
0x5c: {  	_ =	shalt  }
0x5d: {  	_ =	shalt  }
0x5e: {  	_ =	shalt  }
0x5f: {  	_ =	shalt  }
0x60: {  	_ =	shalt  }
0x61: {  	_ =	shalt  }
0x62: {  	_ =	shalt  }
0x63: {  	_ =	shalt  }
0x64: {  	_ =	shalt  }
0x65: {  	_ =	shalt  }
0x66: {  	_ =	shalt  }
0x67: {  	_ =	shalt  }
0x68: {  	_ =	shalt  }
0x69: {  	_ =	shalt  }
0x6a: {  	_ =	shalt  }
0x6b: {  	_ =	shalt  }
0x6c: {  	_ =	shalt  }
0x6d: {  	_ =	shalt  }
0x6e: {  	_ =	shalt  }
0x6f: {  	_ =	shalt  }
0x70: {  	_ =	shalt  }
0x71: {  	_ =	shalt  }
0x72: {  	_ =	shalt  }
0x73: {  	_ =	shalt  }
0x74: {  	_ =	shalt  }
0x75: {  	_ =	shalt  }
0x76: {  	_ =	shalt  }
0x77: {  	_ =	shalt  }
0x78: {  	_ =	shalt  }
0x79: {  	_ =	shalt  }
0x7a: {  	_ =	shalt  }
0x7b: {  	_ =	shalt  }
0x7c: {  	_ =	shalt  }
0x7d: {  	_ =	shalt  }
0x7e: {  	_ =	shalt  }
0x7f: {  	_ =	shalt  }
0x80: {  	_ =	shalt  }
0x81: {  	_ =	shalt  }
0x82: {  	_ =	shalt  }
0x83: {  	_ =	shalt  }
0x84: {  	_ =	shalt  }
0x85: {  	_ =	shalt  }
0x86: {  	_ =	shalt  }
0x87: {  	_ =	shalt  }
.Lfunc_end0:
.L_simem_size_0:
called_computation_lowered:
.L_overlay_start_0:
0x88: {  	s2 =	sld [smem:$0x3FD9]  }
0x89: {  	s3 =	sld [smem:$0x3FFE];
	_ =	sdelay $0x1  }
0x8a: {  	s1 =	srdreg.scid  }
0x8b: {  	s0 =	sand.u32 $0x1, s1  }
0x8c: {  	s16 =	sshll.u32 s0, $0xA;
	s2 =	sadd.s32 s3, s2  }
0x8d: {  	s2 =	sadd.s32 s2, s16  }
0x8e: {  	[smem:$0x3FBE] =	sst s2  }
0x8f: {  	_ = 	snop  }
0x90: {  	(tm) =	ssettm $0x1  }
0x91: {  	s17 =	sld [smem:$0x3FFB];
	_ =	sdelay $0x3  }
0x92: {  	_ =	strace s17  }
0x93: {  	s2 =	sld [smem:$0x3FFC];
	_ =	sdelay $0x3  }
0x94: {  	_ =	strace s2  }
0x95: {  	s2 =	sld [smem:$0x3FFD];
	_ =	sdelay $0x3  }
0x96: {  	_ =	strace s2  }
0x97: {  	_ =	strace $0x8FFFFFFF  }
0x98: {  	s18 =	sld [smem:$0x3FDB];
	_ =	sdelay $0x1  }
0x99: {  	s19 =	simm.s32 $_scs_section_size  }
0x9a: {  	s4 =	simm.s32 $_size__tile_overlayer_lowered;
	s5 =	simm.s32 $_tile_overlayer_lowered  }
0x9b: {  	s22 =	simm.s32 $0x1BFF;
	s21 =	sshll.u32 s5, $0x1;
	s2 =	sadd.s32 s19, s18  }
0x9c: {  	s6 =	simm.s32 $0x0;
	s20 =	sshll.u32 s4, $0x1;
	s4 =	sadd.s32 s21, s2  }
0x9d: {  	[timem:s6], [sflag:s22] =	dma.local [hbm:s4], s20  }
0x9e: {  	_ =	swait.ge [sflag:s22], s20  }
0x9f: {  	s3 =	ssub.s32 $0x0, s20;
	[sflag:s22] =	ssyncset.done $0x0  }
0xa0: {  	[sflag:s22] =	ssyncadd.s32 s3;
	_ =	sdelay $0x1  }
0xa1: {  	s23 =	simm.s32 $0x1B8B  }
0xa2: {  	_ =	swait.ge [sflag:s23], $0x1  }
0xa3: {  	[sflag:s23] =	ssyncset.done $0x0  }
0xa4: {  	s25 =	simm.s32 $0x1B8E;
	s24 =	sld [smem:$0x3FFE];
	[sflag:s23] =	ssyncadd.s32 $0xFFFFFFFF  }
0xa5: {  	s26 =	simm.s32 $execute0_lowered;
	[smem:$0x3FD2] =	sst s25  }
0xa6: {  	s4 =	sshll.u32 s26, $0x1;
	_ =	strace $0x80000046;
	[dreg:$0x1] =	wrdreg $0xFFFFFFFF  }
0xa7: {  	s28 =	simm.s32 $_size_execute0_lowered;
	s2 =	sadd.s32 s2, s4;
	[dreg:$0x0] =	wrdreg $0x0  }
0xa8: {  	s4 =	sshll.u32 s28, $0x1;
	[dreg:$0x2] =	wrdreg s2  }
0xa9: {  	[dreg:$0x3] =	wrdreg s4  }
0xaa: {  	[dreg:$0x4] =	wrdreg $0xC0  }
0xab: {  	_ =	task [dreg:s6], $0x5FFFF  }
0xac: {  	[dreg:$0x1] =	wrdreg $0xFFFFFFFF  }
0xad: {  	[dreg:$0x0] =	wrdreg $0x60  }
0xae: {  	[dreg:$0x2] =	wrdreg s24  }
0xaf: {  	[dreg:$0x3] =	wrdreg $0x9  }
0xb0: {  	_ =	task.clear_ibuf [dreg:s6], $0x4FFFF;
	_ =	strace $0x90000046  }
0xb1: {  	s29 =	simm.s32 $0x9;
	_ =	strace $0x80000048  }
0xb2: {  	_ =	swait.ge [sflag:s29], $0x1  }
0xb3: {  	[sflag:s29] =	ssyncadd.s32 $0xFFFFFFFF  }
0xb4: {  	_ =	strace $0x90000048  }
0xb5: {  	_ =	sfence  }
0xb6: {  	s30 =	sld [smem:$0x0];
	_ =	sdelay $0x2  }
0xb7: {  	s31 =	sshll.u32 s1, $0xD;
	s1 =	sshrl.u32 s1, $0x2  }
0xb8: {  	s3 =	sand.u32 $0x4000, s31;
	s1 =	sadd.s32 s1, s30  }
0xb9: {  	s0 =	sor.u32 s3, s0;
	s1 =	sshll.u32 s1, $0x11  }
0xba: {  	s0 =	sor.u32 s1, s0  }
0xbb: {  	s0 =	sadd.s32 $0x8F2B, s0  }
0xbc: {  	[sflag:s0] =	ssyncadd.remote.s32 $0x1  }
0xbd: {  	_ =	sfence.sel $0xFFFF  }
0xbe: {  	[dreg:$0x0] =	wrdreg $0xFFFFFFFF;
	(pc) =	sbr.abs _section_cstart, $3  }
0xbf: {  	[dreg:$0x1] =	wrdreg $0xFFFFFFFF  }
0xc0: {  	_ =	task.clear_ibuf [dreg:s6], $0x2FFFF;
	_ =	strace $0x9FFFFFFF  }
0xc1: {  	(tm) =	ssettm $0x7FFFFFFF  }
tec
execute0_lowered:
.L_overlay_start_1:
0x0: {  	(tag) =	ssettag $0x1  }
0x1: {  	s1 =	srdreg.scid  }
0x2: {  	s0 =	stileid.u32;
	s4 =	sand.u32 $0x1, s1  }
0x3: {  	s1 =	sor.u32 s4, s0  }
0x4: {  	p0 =	seq.s32 s4, $0x1;
	p1 =	seq.s32 s1, $0x0  }
0x5: {  	p0 =	por !p1, !p0  }
0x6: {  	s5 =	rddreg [dreg:$0x0];
	s1 =	simm.s32 $0x1;
	p0 =	por !p0, !p0  }
0x7: {  	s2 =	simm.s32 $0x0;
	s10 =	simm.s32 $0x0;
	s1 =	simm.s32 @!p0 $0x0  }
0x8: {  	[smem:$0x7FF] =	sst s2;
	s7 =	smul.u32 $0x1C000, s4;
	s3 =	ssub.s32 s0, s1  }
0x9: {  	s9 =	sshll.u32 s4, $0xD;
	s4 =	ssub.s32 $0x2, s4;
	s6 =	smul.u32 $0x7000, s3  }
0xa: {  	s30 =	sadd.s32 s9, s5;
	s31 =	sshrl.u32 s4, $0x1;
	s8 =	smul.u32 $0x1C00, s3  }
0xb: {  	v0 =	vimm.s32 $0x0;
	v1 =	vimm.s32 $0x1;
	v2 =	vimm.s32 $0x2;
	s9 =	ssub.s32 s4, s31;
	s4 =	sadd.s32 $0x1800, s30;
	s1 =	rddreg [dreg:$0x1]  }
0xc: {  	v3 =	vimm.s32 $0x3;
	v6 =	vimm.s32 $0x4;
	v28 =	vimm.s32 $0x6;
	_ =	strace $0x80000047;
	s6 =	sshrl.u32 s6, $0x3;
	s7 =	sadd.s32 s7, s8  }
0xd: {  	v34 =	vimm.s32 $0x7;
	v24 =	vimm.s32 $0x8;
	v29 =	vimm.s32 $0x9;
	s3 =	simm.s32 $0x1;
	s6 =	sadd.s32 s6, s5;
	s7 =	sshrl.u32 s7, $0x3  }
0xe: {  	v20 =	vimm.s32 $0xA;
	v27 =	vimm.s32 $0xB;
	v18 =	vimm.s32 $0xC;
	s8 =	simm.s32 $0x10000;
	s7 =	sadd.s32 s7, s5;
	s5 =	sadd.s32 $0x5800, s6  }
0xf: {  	v23 =	vimm.s32 $0xD;
	v16 =	vimm.s32 $0xE;
	v19 =	vimm.s32 $0xF;
	s6 =	sadd.s32 $0x13800, s7;
	s7 =	smax.u32 s9, $0x1;
	s9 =	simm.s32 $0x17000  }
.LBB2_1:
0x10: {  	[tilespmem:s2], [sflag:$0x1] =	stream.linear.gather [hbm4b:s4+s2], $0x10000, $0x38;
	[tilespmem:$0x18C00] =	vst v63  }
0x11: {  	_ =	swait.ge [sflag:s3], $0x10000  }
0x12: {  	[sflag:s3] =	ssyncset.done $0x0  }
0x13: {  	[sflag:s3] =	ssyncadd.s32 $0xFFFF0000  }
0x14: {  	[tilespmem:s8], [sflag:$0x1] =	stream.linear.gather [hbm4b:s5+s2], $0x7000, $0x38;
	[tilespmem:$0x18C00] =	vst v63  }
0x15: {  	_ =	swait.ge [sflag:s3], $0x7000  }
0x16: {  	[sflag:s3] =	ssyncset.done $0x0  }
0x17: {  	s11 =	simm.s32 $0x0;
	[sflag:s3] =	ssyncadd.s32 $0xFFFF9000  }
.LBB2_2:
0x18: {  	s12 =	simm.s32 $0x400  }
0x19: {  	v4 =	vld [tilespmem:s12+$0x380]  }
0x1a: {  	v5 =	vld [tilespmem:s12+$0x390]  }
0x1b: {  	v33 =	vld [tilespmem:s12+$0x3A0]  }
0x1c: {  	v36 =	vld [tilespmem:s12+$0x3B0]  }
0x1d: {  	v51 =	vld [tilespmem:s12+$0x3C0]  }
0x1e: {  	v53 =	vld [tilespmem:s12+$0x3D0]  }
0x1f: {  	v54 =	vld [tilespmem:s12+$0x300]  }
0x20: {  	v55 =	vld [tilespmem:s12+$0x310]  }
0x21: {  	v56 =	vld [tilespmem:s12+$0x320]  }
0x22: {  	v57 =	vld [tilespmem:s12+$0x330]  }
0x23: {  	v58 =	vld [tilespmem:s12+$0x340]  }
0x24: {  	v59 =	vld [tilespmem:s12+$0x350]  }
0x25: {  	v60 =	vld [tilespmem:s12+$0x280]  }
0x26: {  	v17 =	vld [tilespmem:s12+$0x130]  }
0x27: {  	v61 =	vld [tilespmem:s12+$0x290]  }
0x28: {  	v7 =	vld [tilespmem:s12+$0x2A0]  }
0x29: {  	v8 =	vld [tilespmem:s12+$0x2B0]  }
0x2a: {  	v35 =	vld [tilespmem:s12+$0x2C0]  }
0x2b: {  	[tilespmem:$0x1FFA0] =	vst v17;
	v17 =	vld [tilespmem:s12+$0x140]  }
0x2c: {  	v31 =	vld [tilespmem:s12+$0x2D0]  }
0x2d: {  	v9 =	vld [tilespmem:s12+$0x200]  }
0x2e: {  	v10 =	vld [tilespmem:s12+$0x210]  }
0x2f: {  	v11 =	vld [tilespmem:s12+$0x220]  }
0x30: {  	s13 =	sshll.u32 s11, $0x9;
	s14 =	sshll.u32 s11, $0x7;
	[tilespmem:$0x1FFB0] =	vst v17;
	v17 =	vld [tilespmem:s12+$0x150]  }
0x31: {  	s15 =	sand.u32 $0x7000, s13;
	s14 =	sand.u32 $0x380, s14;
	v12 =	vld [tilespmem:s12+$0x230]  }
0x32: {  	v30 =	vld [tilespmem:s12+$0x240];
	s15 =	sor.u32 s14, s15;
	s14 =	simm.s32 $0x0  }
0x33: {  	v26 =	vld [tilespmem:s12+$0x250];
	s15 =	sor.u32 $0x10000, s15;
	s16 =	sand.u32 $0xC00, s14  }
0x34: {  	v13 =	vld [tilespmem:s12+$0x180];
	s17 =	sand.u32 $0x70, s14;
	s16 =	sadd.s32 s16, s15  }
0x35: {  	s16 =	sadd.s32 s17, s16;
	[tilespmem:$0x1FFC0] =	vst v17;
	v17 =	vld [tilespmem:s12+$0xB0]  }
0x36: {  	v37 =	vld [tilespmem:s16+$0x0]  }
0x37: {  	v32 =	vld [tilespmem:s12+$0xFFFFFC80]  }
0x38: {  	v38 =	vld [tilespmem:s12+$0xFFFFFC00]  }
0x39: {  	v43 =	vld [tilespmem:s12+$0xFFFFFC10]  }
0x3a: {  	[tilespmem:$0x1FFD0] =	vst v17;
	v17 =	vld [tilespmem:s12+$0xC0]  }
0x3b: {  	v14 =	vld [tilespmem:s12+$0x190];
	v42 =	vperm.xlane v37, v0  }
0x3c: {  	v15 =	vld [tilespmem:s12+$0x1A0];
	v39 =	vperm.xlane v37, v1  }
0x3d: {  	v21 =	vld [tilespmem:s12+$0x1B0];
	v38 =	vmul.f32 v38, v42  }
0x3e: {  	v40 =	vld [tilespmem:s12+$0x1C0];
	v0 =	vimm.s32 $0x5;
	v63 =	vmul.f32 v32, v39;
	v43 =	vmul.f32 v43, v42  }
0x3f: {  	v41 =	vld [tilespmem:s12+$0x1D0];
	v32 =	vperm.xlane v37, v0;
	[tilespmem:$0x1FFE0] =	vst v17;
	v17 =	vperm.xlane v37, v16  }
0x40: {  	v44 =	vld [tilespmem:s12+$0xFFFFFC90];
	v16 =	vperm.xlane v37, v19;
	v19 =	vperm.xlane v37, v18  }
0x41: {  	v50 =	vld [tilespmem:s12+$0x100];
	v18 =	vperm.xlane v37, v23;
	v23 =	vperm.xlane v37, v20  }
0x42: {  	v45 =	vld [tilespmem:s12+$0xFFFFFC20];
	v20 =	vperm.xlane v37, v27;
	v27 =	vperm.xlane v37, v24  }
0x43: {  	v47 =	vld [tilespmem:s12+$0x110];
	v24 =	vperm.xlane v37, v29;
	v29 =	vperm.xlane v37, v28  }
0x44: {  	v48 =	vld [tilespmem:s12+$0xFFFFFC30];
	v28 =	vperm.xlane v37, v34;
	v34 =	vperm.xlane v37, v6;
	v6 =	vimm.f32 $0.0e+00  }
0x45: {  	v62 =	vld [tilespmem:s12+$0xFFFFFCA0];
	v44 =	vmul.f32 v44, v39;
	v0 =	vadd.f32 v43, v6;
	v4 =	vmul.f32 v4, v16  }
0x46: {  	v25 =	vld [tilespmem:s12+$0x120];
	v1 =	vadd.f32 v38, v6;
	v38 =	vperm.xlane v37, v2  }
0x47: {  	v2 =	vld [tilespmem:s12+$0xFFFFFCB0];
	[tilespmem:$0x1FEF0] =	vst v4;
	v4 =	vmul.f32 v45, v42;
	v45 =	vadd.f32 v44, v0;
	v0 =	vmul.f32 v5, v16  }
0x48: {  	v37 =	vperm.xlane v37, v3;
	v3 =	vld [tilespmem:s12+$0xFFFFFD00]  }
0x49: {  	[tilespmem:$0x1FF00] =	vst v0;
	v0 =	vld [tilespmem:s12+$0xFFFFFD20]  }
0x4a: {  	v43 =	vmul.f32 v62, v39;
	v62 =	vld [tilespmem:s12+$0xFFFFFD30];
	v5 =	vmul.f32 v48, v42  }
0x4b: {  	v36 =	vmul.f32 v36, v16;
	v1 =	vadd.f32 v63, v1;
	v63 =	vld [tilespmem:s12+$0xFFFFFD10];
	v4 =	vadd.f32 v4, v6  }
0x4c: {  	v49 =	vld [tilespmem:s12+$0x80];
	v5 =	vadd.f32 v5, v6;
	v2 =	vmul.f32 v2, v39  }
0x4d: {  	[tilespmem:$0x1FF20] =	vst v36;
	v36 =	vld [tilespmem:s12+$0xFFFFFD80];
	v3 =	vmul.f32 v3, v38;
	v6 =	vmul.f32 v55, v17;
	v4 =	vadd.f32 v43, v4  }
0x4e: {  	v48 =	vld [tilespmem:s12+$0xFFFFFD90];
	v2 =	vadd.f32 v2, v5;
	v43 =	vmul.f32 v53, v16;
	v0 =	vmul.f32 v0, v38  }
0x4f: {  	v53 =	vld [tilespmem:s12+$0xFFFFFDA0];
	v1 =	vadd.f32 v3, v1;
	v3 =	vmul.f32 v54, v17;
	[tilespmem:$0x1FF50] =	vst v6;
	v6 =	vmul.f32 v62, v38  }
0x50: {  	v5 =	vmul.f32 v63, v38;
	v62 =	vld [tilespmem:s12+$0xFFFFFE00];
	v0 =	vadd.f32 v0, v4;
	v4 =	vmul.f32 v56, v17  }
0x51: {  	[tilespmem:$0x1FF40] =	vst v3;
	v3 =	vld [tilespmem:s12+$0xFFFFFDB0];
	v2 =	vadd.f32 v6, v2;
	v6 =	vmul.f32 v57, v17  }
0x52: {  	v5 =	vadd.f32 v5, v45;
	v45 =	vmul.f32 v59, v17;
	v59 =	vld [tilespmem:s12+$0xFFFFFE90];
	[tilespmem:$0x1FF60] =	vst v4;
	v4 =	vmul.f32 v36, v37  }
0x53: {  	v33 =	vmul.f32 v33, v16;
	v36 =	vld [tilespmem:s12+$0xFFFFFE10]  }
0x54: {  	[tilespmem:$0x1FF70] =	vst v6;
	v6 =	vmul.f32 v48, v37;
	v4 =	vadd.f32 v4, v1;
	v1 =	vmul.f32 v53, v37;
	v53 =	vld [tilespmem:s12+$0xFFFFFE30]  }
0x55: {  	[tilespmem:$0x1FF10] =	vst v33;
	v33 =	vld [tilespmem:s12+$0xFFFFFE20];
	v54 =	vmul.f32 v31, v18;
	v57 =	vmul.f32 v8, v18  }
0x56: {  	v48 =	vmul.f32 v58, v17;
	v5 =	vadd.f32 v6, v5;
	v6 =	vld [tilespmem:s12+$0xFFFFFE80];
	v3 =	vmul.f32 v3, v37  }
0x57: {  	v63 =	vld [tilespmem:s12+$0xFFFFFEB0];
	v55 =	vmul.f32 v62, v34;
	v31 =	vmul.f32 v59, v32;
	v56 =	vadd.f32 v1, v0  }
0x58: {  	v1 =	vmul.f32 v60, v18;
	v60 =	vadd.f32 v3, v2;
	v3 =	vmul.f32 v36, v34;
	v36 =	vld [tilespmem:s12+$0xFFFFFEA0]  }
0x59: {  	v2 =	vmul.f32 v61, v18;
	v61 =	vld [tilespmem:s12+$0xFFFFFF10];
	v8 =	vmul.f32 v53, v34  }
0x5a: {  	v4 =	vadd.f32 v55, v4;
	v0 =	vmul.f32 v7, v18;
	v5 =	vadd.f32 v3, v5;
	v53 =	vld [tilespmem:s12+$0xFFFFFF00]  }
0x5b: {  	v46 =	vld [tilespmem:s12+$0x90];
	v7 =	vmul.f32 v33, v34;
	v6 =	vmul.f32 v6, v32;
	v8 =	vadd.f32 v8, v60  }
0x5c: {  	v31 =	vadd.f32 v31, v5;
	v5 =	vmul.f32 v10, v19;
	v10 =	vmul.f32 v63, v32;
	v63 =	vld [tilespmem:s12+$0xFFFFFF80]  }
0x5d: {  	v62 =	vld [tilespmem:s12+$0xFFFFFF20];
	v7 =	vadd.f32 v7, v56;
	v58 =	vadd.f32 v6, v4;
	v6 =	vmul.f32 v36, v32  }
0x5e: {  	[tilespmem:$0x1FF80] =	vst v0;
	v0 =	vmul.f32 v26, v19;
	v26 =	vld [tilespmem:s12+$0x0];
	v10 =	vadd.f32 v10, v8;
	v8 =	vmul.f32 v61, v29  }
0x5f: {  	v59 =	vld [tilespmem:s12+$0xFFFFFF90];
	v36 =	vadd.f32 v6, v7;
	v6 =	vmul.f32 v11, v19;
	v11 =	vmul.f32 v53, v29  }
0x60: {  	v4 =	vmul.f32 v9, v19;
	[tilespmem:$0x1FF90] =	vst v0;
	v0 =	vld [tilespmem:$0x1FFA0];
	v7 =	vmul.f32 v12, v19;
	v31 =	vadd.f32 v8, v31  }
0x61: {  	v9 =	vld [tilespmem:s12+$0xFFFFFF30];
	v8 =	vmul.f32 v13, v20;
	v12 =	vadd.f32 v11, v58;
	v13 =	vmul.f32 v63, v28  }
0x62: {  	v55 =	vmul.f32 v30, v19;
	v60 =	vld [tilespmem:s12+$0xFFFFFFA0]  }
0x63: {  	v30 =	vld [tilespmem:s12+$0xFFFFFFB0];
	v26 =	vmul.f32 v26, v27;
	v11 =	vmul.f32 v62, v29;
	v62 =	vadd.f32 v13, v12  }
0x64: {  	v22 =	vld [tilespmem:s12+$0xA0]  }
0x65: {  	v26 =	vadd.f32 v26, v62;
	v62 =	vmul.f32 v0, v23;
	v0 =	vld [tilespmem:$0x1FFB0]  }
0x66: {  	v52 =	vld [tilespmem:s12+$0xD0];
	v3 =	vmul.f32 v21, v20;
	v9 =	vmul.f32 v9, v29  }
0x67: {  	v61 =	vld [tilespmem:s12+$0x10];
	v36 =	vadd.f32 v11, v36;
	v12 =	vmul.f32 v15, v20;
	v15 =	vmul.f32 v60, v28  }
0x68: {  	v33 =	vld [tilespmem:s12+$0xFFFFFFC0];
	v21 =	vmul.f32 v30, v28;
	v9 =	vadd.f32 v9, v10;
	v10 =	vmul.f32 v59, v28  }
0x69: {  	v11 =	vmul.f32 v14, v20;
	v14 =	vld [tilespmem:s12+$0x20];
	v15 =	vadd.f32 v15, v36;
	v36 =	vmul.f32 v50, v23  }
0x6a: {  	v50 =	vmul.f32 v46, v24;
	v46 =	vmul.f32 v0, v23;
	v0 =	vld [tilespmem:$0x1FFC0]  }
0x6b: {  	v56 =	vld [tilespmem:s12+$0xFFFFFF40]  }
0x6c: {  	v30 =	vld [tilespmem:s12+$0xFFFFFED0];
	v10 =	vadd.f32 v10, v31;
	v9 =	vadd.f32 v21, v9;
	v21 =	vmul.f32 v61, v27  }
0x6d: {  	v63 =	vld [tilespmem:s12+$0x30]  }
0x6e: {  	v53 =	vld [tilespmem:s12+$0xFFFFFFD0];
	v10 =	vadd.f32 v21, v10;
	v21 =	vmul.f32 v47, v23  }
0x6f: {  	v14 =	vmul.f32 v14, v27;
	v47 =	vmul.f32 v0, v23;
	v0 =	vld [tilespmem:$0x1FFD0]  }
0x70: {  	v41 =	vmul.f32 v41, v20;
	v22 =	vmul.f32 v22, v24;
	v44 =	vimm.f32 $0.0e+00;
	v58 =	vld [tilespmem:s12+$0x40]  }
0x71: {  	[tilespmem:$0x1FF30] =	vst v44;
	v44 =	vmul.f32 v51, v16;
	v60 =	vld [tilespmem:s12+$0xFFFFFF50];
	v14 =	vadd.f32 v14, v15;
	v15 =	vmul.f32 v49, v24  }
0x72: {  	v51 =	vmul.f32 v35, v18;
	v61 =	vld [tilespmem:s12+$0xFFFFFEC0];
	v35 =	vmul.f32 v63, v27  }
0x73: {  	v59 =	vmul.f32 v40, v20;
	v13 =	vmul.f32 v25, v23;
	v15 =	vadd.f32 v15, v26;
	v26 =	vld [tilespmem:s12+$0xFFFFFE40]  }
0x74: {  	v63 =	vadd.f32 v50, v10;
	v9 =	vadd.f32 v35, v9;
	v10 =	vmul.f32 v0, v24;
	v0 =	vld [tilespmem:$0x1FFE0]  }
0x75: {  	v40 =	vld [tilespmem:s12+$0xFFFFFE50];
	v49 =	vmul.f32 v52, v24;
	v22 =	vadd.f32 v22, v14;
	v35 =	vadd.f32 v36, v15  }
0x76: {  	v31 =	vld [tilespmem:s12+$0x50];
	v36 =	vadd.f32 v21, v63;
	v15 =	vmul.f32 v60, v29;
	v25 =	vadd.f32 v10, v9  }
0x77: {  	v21 =	vadd.f32 v13, v22;
	v60 =	vmul.f32 v61, v32;
	v61 =	vmul.f32 v30, v32;
	v30 =	vld [tilespmem:s12+$0xFFFFFD40]  }
0x78: {  	v9 =	vmul.f32 v33, v28;
	v33 =	vld [tilespmem:s12+$0xFFFFFDC0];
	v22 =	vadd.f32 v62, v25;
	v62 =	vmul.f32 v26, v34  }
0x79: {  	v52 =	vimm.f32 $0.0e+00;
	v26 =	vld [tilespmem:s12+$0xFFFFFD50];
	v50 =	vmul.f32 v0, v24;
	v0 =	vmul.f32 v58, v27  }
0x7a: {  	v14 =	vmul.f32 v56, v29;
	v56 =	vimm.f32 $0.0e+00;
	v63 =	vmul.f32 v40, v34;
	v25 =	vld [tilespmem:s12+$0xFFFFFCC0]  }
0x7b: {  	s16 =	simm.s32 $0x10;
	v10 =	vmul.f32 v53, v28;
	v53 =	vimm.f32 $0.0e+00;
	v58 =	vmul.f32 v31, v27;
	v31 =	vld [tilespmem:s12+$0xFFFFFDD0];
	[tilespmem:$0x1FFF0] =	vst v0  }
.LBB2_3:
0x7c: {  	_ = 	snop  }
0x7d: {  	v13 =	vadd.f32 v3, v22  }
0x7e: {  	v8 =	vadd.f32 v8, v35  }
0x7f: {  	v7 =	vadd.f32 v7, v13;
	v13 =	vmul.f32 v25, v39;
	v25 =	vld [tilespmem:$0x1FF40]  }
0x80: {  	v4 =	vadd.f32 v4, v8  }
0x81: {  	v22 =	vmul.f32 v30, v38;
	v30 =	vld [tilespmem:$0x1FEF0]  }
0x82: {  	v0 =	vadd.f32 v1, v4;
	_ =	sdelay $0x1  }
0x83: {  	v0 =	vadd.f32 v25, v0  }
0x84: {  	v11 =	vadd.f32 v11, v36  }
0x85: {  	v25 =	vld [tilespmem:$0x1FF50];
	v0 =	vadd.f32 v30, v0  }
0x86: {  	v5 =	vadd.f32 v5, v11  }
0x87: {  	v12 =	vadd.f32 v12, v21;
	[tilespmem:$0x1FDA0] =	vst v0;
	v0 =	vld [tilespmem:$0x1FF00]  }
0x88: {  	v1 =	vadd.f32 v2, v5  }
0x89: {  	v6 =	vadd.f32 v6, v12;
	v12 =	vld [tilespmem:s12+$0xFFFFFC70]  }
0x8a: {  	v2 =	vld [tilespmem:$0x1FF80];
	v1 =	vadd.f32 v25, v1;
	_ =	sdelay $0x1  }
0x8b: {  	v11 =	vmul.f32 v26, v38;
	v26 =	vld [tilespmem:$0x1FF60];
	v0 =	vadd.f32 v0, v1;
	_ =	sdelay $0x1  }
0x8c: {  	[tilespmem:$0x1FDB0] =	vst v0;
	v0 =	vmul.f32 v12, v42;
	v12 =	vld [tilespmem:$0x1FF10]  }
0x8d: {  	v2 =	vadd.f32 v2, v6;
	_ =	sdelay $0x1  }
0x8e: {  	v2 =	vadd.f32 v26, v2;
	_ =	sdelay $0x1  }
0x8f: {  	v26 =	vld [tilespmem:$0x1FF70];
	v2 =	vadd.f32 v12, v2;
	_ =	sdelay $0x1  }
0x90: {  	[tilespmem:$0x1FDC0] =	vst v2;
	v2 =	vld [tilespmem:$0x1FF20]  }
0x91: {  	v3 =	vadd.f32 v57, v7  }
0x92: {  	v21 =	vld [tilespmem:s12+$0xFFFFFC50]  }
0x93: {  	v40 =	vld [tilespmem:s12+$0xFFFFFCD0];
	v3 =	vadd.f32 v26, v3  }
0x94: {  	v36 =	vld [tilespmem:s12+$0xFFFFFC40]  }
0x95: {  	v8 =	vld [tilespmem:s12+$0xFFFFFC60];
	v2 =	vadd.f32 v2, v3  }
0x96: {  	v5 =	vld [tilespmem:s12+$0xFFFFFCE0]  }
0x97: {  	v21 =	vmul.f32 v21, v42;
	[tilespmem:$0x1FDD0] =	vst v2;
	v2 =	vld [tilespmem:$0x1FF30]  }
0x98: {  	v7 =	vld [tilespmem:s12+$0xFFFFFCF0]  }
0x99: {  	v4 =	vmul.f32 v40, v39;
	v25 =	vld [tilespmem:s12+$0xFFFFFD60];
	v3 =	vadd.f32 v21, v56  }
0x9a: {  	v8 =	vmul.f32 v8, v42;
	v6 =	vmul.f32 v36, v42;
	v26 =	vld [tilespmem:s12+$0xFFFFFD70]  }
0x9b: {  	v33 =	vmul.f32 v33, v37;
	v31 =	vmul.f32 v31, v37;
	v1 =	vld [tilespmem:s12+$0xFFFFFDE0];
	v3 =	vadd.f32 v4, v3  }
0x9c: {  	v5 =	vmul.f32 v5, v39;
	v8 =	vadd.f32 v8, v53;
	v2 =	vadd.f32 v6, v2;
	v6 =	vld [tilespmem:s12+$0xFFFFFDF0]  }
0x9d: {  	v7 =	vmul.f32 v7, v39;
	v0 =	vadd.f32 v0, v52;
	v12 =	vld [tilespmem:s12+$0xFFFFFE60];
	v3 =	vadd.f32 v11, v3  }
0x9e: {  	v5 =	vadd.f32 v5, v8;
	v4 =	vmul.f32 v25, v38;
	v2 =	vadd.f32 v13, v2;
	v13 =	vld [tilespmem:s12+$0xFFFFFE70]  }
0x9f: {  	v0 =	vadd.f32 v7, v0;
	v7 =	vmul.f32 v26, v38;
	v3 =	vadd.f32 v31, v3  }
0xa0: {  	v1 =	vmul.f32 v1, v37;
	v11 =	vld [tilespmem:s12+$0xFFFFFEF0];
	v4 =	vadd.f32 v4, v5;
	v2 =	vadd.f32 v22, v2  }
0xa1: {  	v8 =	vld [tilespmem:s12+$0xFFFFFEE0];
	v0 =	vadd.f32 v7, v0;
	v3 =	vadd.f32 v63, v3;
	v5 =	vmul.f32 v6, v37  }
0xa2: {  	v7 =	vmul.f32 v12, v34;
	v12 =	vld [tilespmem:s12+$0xFFFFFF70];
	v1 =	vadd.f32 v1, v4;
	v2 =	vadd.f32 v33, v2  }
0xa3: {  	v3 =	vadd.f32 v61, v3;
	v6 =	vld [tilespmem:s12+$0xFFFFFF60];
	v0 =	vadd.f32 v5, v0;
	v4 =	vmul.f32 v13, v34  }
0xa4: {  	v13 =	vld [tilespmem:s12+$0xFFFFFFF0];
	v2 =	vadd.f32 v62, v2  }
0xa5: {  	v3 =	vadd.f32 v15, v3;
	v5 =	vld [tilespmem:s12+$0xFFFFFFE0];
	v0 =	vadd.f32 v4, v0;
	v4 =	vmul.f32 v11, v32  }
0xa6: {  	v11 =	vld [tilespmem:s12+$0x70];
	v2 =	vadd.f32 v60, v2  }
0xa7: {  	v3 =	vadd.f32 v10, v3;
	v10 =	vld [tilespmem:$0x1FFF0];
	v0 =	vadd.f32 v4, v0;
	v4 =	vmul.f32 v12, v29  }
0xa8: {  	v8 =	vmul.f32 v8, v32;
	v1 =	vadd.f32 v7, v1;
	v12 =	vld [tilespmem:s12+$0xF0];
	v2 =	vadd.f32 v14, v2  }
0xa9: {  	v7 =	vld [tilespmem:s12+$0x60];
	v0 =	vadd.f32 v4, v0;
	v4 =	vmul.f32 v13, v28  }
0xaa: {  	v1 =	vadd.f32 v8, v1;
	v6 =	vmul.f32 v6, v29;
	v2 =	vadd.f32 v9, v2;
	v9 =	vld [tilespmem:s12+$0x170]  }
0xab: {  	s14 =	sadd.s32 $0x80, s14;
	v8 =	vld [tilespmem:s12+$0xE0];
	v0 =	vadd.f32 v4, v0;
	v4 =	vmul.f32 v11, v27  }
0xac: {  	s17 =	sand.u32 $0xC00, s14;
	v5 =	vmul.f32 v5, v28;
	v1 =	vadd.f32 v6, v1;
	v2 =	vadd.f32 v10, v2;
	v10 =	vld [tilespmem:s12+$0x1F0]  }
0xad: {  	s18 =	sand.u32 $0x70, s16;
	s17 =	sadd.s32 s17, s15;
	v6 =	vld [tilespmem:s12+$0x160];
	v0 =	vadd.f32 v4, v0;
	v4 =	vmul.f32 v12, v24  }
0xae: {  	s17 =	sadd.s32 s18, s17;
	v7 =	vmul.f32 v7, v27;
	v1 =	vadd.f32 v5, v1;
	v11 =	vld [tilespmem:s12+$0x270]  }
0xaf: {  	v39 =	vld [tilespmem:s17+$0x0];
	v0 =	vadd.f32 v4, v0;
	v4 =	vmul.f32 v9, v23  }
0xb0: {  	v8 =	vmul.f32 v8, v24;
	v3 =	vadd.f32 v58, v3;
	v5 =	vld [tilespmem:s12+$0x1E0];
	v1 =	vadd.f32 v7, v1  }
0xb1: {  	v7 =	vld [tilespmem:s12+$0x260];
	v0 =	vadd.f32 v4, v0;
	v4 =	vmul.f32 v10, v20  }
0xb2: {  	v3 =	vadd.f32 v49, v3;
	v1 =	vadd.f32 v8, v1;
	v8 =	vld [tilespmem:s12+$0x2E0]  }
0xb3: {  	v6 =	vmul.f32 v6, v23;
	v0 =	vadd.f32 v4, v0;
	v4 =	vmul.f32 v11, v19;
	v11 =	vld [tilespmem:$0x1FF90]  }
0xb4: {  	v3 =	vadd.f32 v47, v3;
	v9 =	vld [tilespmem:s12+$0x2F0]  }
0xb5: {  	v5 =	vmul.f32 v5, v20;
	v1 =	vadd.f32 v6, v1;
	v6 =	vld [tilespmem:s12+$0x360]  }
0xb6: {  	v3 =	vadd.f32 v41, v3;
	v10 =	vld [tilespmem:s12+$0x370]  }
0xb7: {  	v1 =	vadd.f32 v5, v1;
	v5 =	vld [tilespmem:s12+$0x3E0]  }
0xb8: {  	v7 =	vmul.f32 v7, v19;
	v3 =	vadd.f32 v11, v3;
	v11 =	vld [tilespmem:s12+$0x3F0];
	s12 =	sadd.s32 $0x800, s12  }
0xb9: {  	v12 =	vld [tilespmem:s12+$0x380]  }
0xba: {  	v8 =	vmul.f32 v8, v18;
	v1 =	vadd.f32 v7, v1;
	v7 =	vld [tilespmem:s12+$0x390]  }
0xbb: {  	v0 =	vadd.f32 v4, v0;
	v4 =	vmul.f32 v9, v18;
	v9 =	vld [tilespmem:s12+$0x3A0]  }
0xbc: {  	v2 =	vadd.f32 v50, v2;
	v6 =	vmul.f32 v6, v17;
	v1 =	vadd.f32 v8, v1;
	v8 =	vld [tilespmem:s12+$0x3B0]  }
0xbd: {  	v0 =	vadd.f32 v4, v0;
	v4 =	vmul.f32 v10, v17;
	v10 =	vld [tilespmem:s12+$0x3C0]  }
0xbe: {  	v2 =	vadd.f32 v46, v2;
	v1 =	vadd.f32 v6, v1;
	v6 =	vld [tilespmem:s12+$0x3D0]  }
0xbf: {  	v13 =	vld [tilespmem:s12+$0x290]  }
0xc0: {  	v2 =	vadd.f32 v59, v2;
	v14 =	vld [tilespmem:s12+$0x2A0]  }
0xc1: {  	v15 =	vld [tilespmem:s12+$0x2B0]  }
0xc2: {  	v2 =	vadd.f32 v55, v2;
	v21 =	vld [tilespmem:s12+$0x2C0]  }
0xc3: {  	v0 =	vadd.f32 v4, v0;
	v22 =	vld [tilespmem:s12+$0x2D0];
	v4 =	vmul.f32 v11, v16  }
0xc4: {  	v2 =	vadd.f32 v51, v2;
	v25 =	vld [tilespmem:s12+$0x200]  }
0xc5: {  	v5 =	vmul.f32 v5, v16;
	v26 =	vld [tilespmem:s12+$0x210];
	v0 =	vadd.f32 v4, v0  }
0xc6: {  	v2 =	vadd.f32 v48, v2;
	v30 =	vld [tilespmem:s12+$0x220]  }
0xc7: {  	v3 =	vadd.f32 v54, v3;
	v1 =	vadd.f32 v5, v1;
	[tilespmem:$0x1FE30] =	vst v0;
	v0 =	vld [tilespmem:s12+$0x310]  }
0xc8: {  	v31 =	vld [tilespmem:s12+$0x230]  }
0xc9: {  	v2 =	vadd.f32 v44, v2;
	v3 =	vadd.f32 v45, v3;
	[tilespmem:$0x1FDF0] =	vst v1;
	v1 =	vld [tilespmem:s12+$0x320];
	v16 =	vimm.s32 $0xE  }
0xca: {  	v33 =	vld [tilespmem:s12+$0x240];
	v17 =	vperm.xlane v39, v16  }
0xcb: {  	[tilespmem:$0x1FF30] =	vst v2;
	v2 =	vadd.f32 v43, v3;
	v3 =	vld [tilespmem:s12+$0x330]  }
0xcc: {  	v35 =	vld [tilespmem:s12+$0x250];
	v0 =	vmul.f32 v0, v17  }
0xcd: {  	v4 =	vld [tilespmem:s12+$0x340]  }
0xce: {  	v36 =	vld [tilespmem:s12+$0x180];
	[tilespmem:$0x1FF50] =	vst v0;
	v0 =	vmul.f32 v1, v17  }
0xcf: {  	v5 =	vld [tilespmem:s12+$0x350]  }
0xd0: {  	v40 =	vld [tilespmem:s12+$0x190];
	[tilespmem:$0x1FF60] =	vst v0;
	v0 =	vmul.f32 v3, v17  }
0xd1: {  	v41 =	vld [tilespmem:s12+$0x1A0]  }
0xd2: {  	v18 =	vimm.s32 $0xC;
	v46 =	vld [tilespmem:s12+$0x1B0];
	[tilespmem:$0x1FF70] =	vst v0;
	v0 =	vmul.f32 v4, v17  }
0xd3: {  	v19 =	vperm.xlane v39, v18;
	v18 =	vimm.s32 $0xD;
	v47 =	vld [tilespmem:s12+$0x1C0]  }
0xd4: {  	v18 =	vperm.xlane v39, v18;
	v49 =	vld [tilespmem:s12+$0x1D0];
	[tilespmem:$0x1FE40] =	vst v0;
	v0 =	vmul.f32 v5, v17  }
0xd5: {  	v50 =	vld [tilespmem:s12+$0x100]  }
0xd6: {  	v58 =	vld [tilespmem:s12+$0x110];
	[tilespmem:$0x1FE80] =	vst v0;
	v0 =	vmul.f32 v13, v18  }
0xd7: {  	v59 =	vld [tilespmem:s12+$0x120]  }
0xd8: {  	v60 =	vld [tilespmem:s12+$0x130];
	[tilespmem:$0x1FE10] =	vst v0;
	v0 =	vmul.f32 v14, v18  }
0xd9: {  	v61 =	vld [tilespmem:s12+$0x140]  }
0xda: {  	v52 =	vimm.s32 $0x4;
	v56 =	vimm.s32 $0x0;
	v62 =	vld [tilespmem:s12+$0x150];
	[tilespmem:$0x1FF80] =	vst v0;
	v0 =	vmul.f32 v21, v18  }
0xdb: {  	v53 =	vimm.s32 $0x5;
	v42 =	vperm.xlane v39, v56;
	v34 =	vperm.xlane v39, v52;
	v48 =	vld [tilespmem:s12+$0xB0]  }
0xdc: {  	v32 =	vperm.xlane v39, v53;
	v20 =	vimm.s32 $0xA;
	v51 =	vld [tilespmem:s12+$0x0];
	[tilespmem:$0x1FE20] =	vst v0;
	v0 =	vmul.f32 v22, v18  }
0xdd: {  	v28 =	vimm.s32 $0x6;
	v23 =	vperm.xlane v39, v20;
	v20 =	vimm.s32 $0xB;
	v52 =	vld [tilespmem:s12+$0x10]  }
0xde: {  	v20 =	vperm.xlane v39, v20;
	v55 =	vimm.s32 $0x3;
	v53 =	vld [tilespmem:s12+$0x20];
	[tilespmem:$0x1FE00] =	vst v0;
	v0 =	vmul.f32 v35, v19  }
0xdf: {  	v29 =	vperm.xlane v39, v28;
	v37 =	vperm.xlane v39, v55;
	v55 =	vld [tilespmem:s12+$0x50]  }
0xe0: {  	v28 =	vimm.s32 $0x7;
	v56 =	vld [tilespmem:s12+$0xFFFFFF80];
	v16 =	vimm.s32 $0xF;
	[tilespmem:$0x1FF90] =	vst v0;
	v0 =	vmul.f32 v49, v20  }
0xe1: {  	v28 =	vperm.xlane v39, v28;
	v54 =	vimm.s32 $0x2;
	v44 =	vld [tilespmem:s12+$0x90];
	v16 =	vperm.xlane v39, v16  }
0xe2: {  	v24 =	vimm.s32 $0x8;
	v38 =	vperm.xlane v39, v54;
	v54 =	vld [tilespmem:s12+$0x30];
	[tilespmem:$0x1FEB0] =	vst v0;
	v0 =	vmul.f32 v50, v23  }
0xe3: {  	v27 =	vperm.xlane v39, v24;
	v24 =	vimm.s32 $0x9;
	v45 =	vld [tilespmem:s12+$0xA0];
	[tilespmem:$0x1FDE0] =	vst v2;
	v12 =	vmul.f32 v12, v16  }
0xe4: {  	v24 =	vperm.xlane v39, v24;
	v11 =	vld [tilespmem:s12+$0x280];
	[tilespmem:$0x1FE90] =	vst v0;
	v0 =	vmul.f32 v58, v23  }
0xe5: {  	v43 =	vld [tilespmem:s12+$0x80];
	v63 =	vmul.f32 v15, v18;
	v7 =	vmul.f32 v7, v16;
	[tilespmem:$0x1FEF0] =	vst v12  }
0xe6: {  	v57 =	vimm.s32 $0x1;
	v15 =	vmul.f32 v30, v19;
	v2 =	vld [tilespmem:s12+$0x300];
	[tilespmem:$0x1FEA0] =	vst v0;
	v0 =	vmul.f32 v59, v23  }
0xe7: {  	v39 =	vperm.xlane v39, v57;
	v57 =	vld [tilespmem:s12+$0xFFFFFF90];
	[tilespmem:$0x1FF00] =	vst v7;
	v7 =	vmul.f32 v9, v16  }
0xe8: {  	v30 =	vmul.f32 v44, v24;
	v44 =	vld [tilespmem:s12+$0xFFFFFD90];
	[tilespmem:$0x1FEC0] =	vst v0;
	v0 =	vmul.f32 v60, v23  }
0xe9: {  	[tilespmem:$0x1FF10] =	vst v7;
	v7 =	vmul.f32 v8, v16;
	v14 =	vld [tilespmem:s12+$0x40]  }
0xea: {  	v9 =	vld [tilespmem:s12+$0xC0];
	[tilespmem:$0x1FED0] =	vst v0;
	v0 =	vmul.f32 v61, v23  }
0xeb: {  	v12 =	vmul.f32 v41, v20;
	v41 =	vld [tilespmem:s12+$0xFFFFFE90];
	v2 =	vmul.f32 v2, v17;
	[tilespmem:$0x1FF20] =	vst v7  }
0xec: {  	v7 =	vmul.f32 v10, v16;
	v10 =	vld [tilespmem:s12+$0xD0];
	[tilespmem:$0x1FE50] =	vst v0;
	v0 =	vmul.f32 v48, v24  }
0xed: {  	[tilespmem:$0x1FF40] =	vst v2;
	v2 =	vmul.f32 v31, v19;
	v31 =	vmul.f32 v54, v27;
	v54 =	vld [tilespmem:s12+$0xFFFFFC20]  }
0xee: {  	v6 =	vmul.f32 v6, v16;
	[tilespmem:$0x1FE70] =	vst v0;
	v0 =	vmul.f32 v14, v27;
	v14 =	vld [tilespmem:s12+$0xFFFFFC00]  }
0xef: {  	v1 =	vmul.f32 v11, v18;
	v11 =	vmul.f32 v40, v20;
	v40 =	vld [tilespmem:s12+$0xFFFFFE80]  }
0xf0: {  	[tilespmem:$0x1FFF0] =	vst v0;
	v0 =	vld [tilespmem:$0x1FDA0]  }
0xf1: {  	[tilespmem:$0x1FEE0] =	vst v6;
	v6 =	vmul.f32 v9, v24;
	v9 =	vld [tilespmem:s12+$0xFFFFFD10]  }
0xf2: {  	[tilespmem:$0x1FE60] =	vst v7;
	v7 =	vmul.f32 v55, v27;
	v55 =	vld [tilespmem:s12+$0xFFFFFC30]  }
0xf3: {  	v60 =	vmul.f32 v53, v27;
	v53 =	vld [tilespmem:s12+$0xFFFFFC10];
	v14 =	vmul.f32 v14, v42  }
0xf4: {  	v3 =	vmul.f32 v10, v24;
	v10 =	vld [tilespmem:s12+$0xFFFFFC80];
	v5 =	vmul.f32 v26, v19  }
0xf5: {  	v26 =	vmul.f32 v62, v23;
	v62 =	vmul.f32 v45, v24;
	v14 =	vadd.f32 v14, v0;
	v0 =	vld [tilespmem:$0x1FDB0]  }
0xf6: {  	v45 =	vld [tilespmem:s12+$0xFFFFFD00];
	v21 =	vmul.f32 v33, v19;
	v33 =	vmul.f32 v52, v27  }
0xf7: {  	v52 =	vmul.f32 v57, v28;
	v57 =	vld [tilespmem:s12+$0xFFFFFCB0];
	v22 =	vmul.f32 v51, v27  }
0xf8: {  	v51 =	vmul.f32 v56, v28;
	v56 =	vld [tilespmem:s12+$0xFFFFFCA0];
	v53 =	vmul.f32 v53, v42  }
0xf9: {  	v48 =	vld [tilespmem:s12+$0xFFFFFC90]  }
0xfa: {  	v44 =	vmul.f32 v44, v37;
	v8 =	vmul.f32 v36, v20;
	v53 =	vadd.f32 v53, v0;
	v0 =	vld [tilespmem:$0x1FDC0]  }
0xfb: {  	v41 =	vmul.f32 v41, v32;
	v4 =	vmul.f32 v47, v20;
	v35 =	vld [tilespmem:s12+$0xFFFFFF00]  }
0xfc: {  	v54 =	vmul.f32 v54, v42;
	v40 =	vmul.f32 v40, v32;
	v49 =	vld [tilespmem:s12+$0xFFFFFD80]  }
0xfd: {  	v9 =	vmul.f32 v9, v38;
	v55 =	vmul.f32 v55, v42;
	v58 =	vld [tilespmem:s12+$0xFFFFFE00]  }
0xfe: {  	v13 =	vmul.f32 v25, v19;
	v25 =	vmul.f32 v46, v20;
	v59 =	vld [tilespmem:s12+$0xFFFFFE10]  }
0xff: {  	v10 =	vmul.f32 v10, v39;
	v48 =	vmul.f32 v48, v39;
	v54 =	vadd.f32 v54, v0;
	v0 =	vld [tilespmem:$0x1FDD0]  }
0x100: {  	v45 =	vmul.f32 v45, v38;
	v57 =	vmul.f32 v57, v39;
	v50 =	vld [tilespmem:s12+$0xFFFFFD30]  }
0x101: {  	v61 =	vmul.f32 v43, v24;
	v43 =	vld [tilespmem:s12+$0xFFFFFD20];
	v10 =	vadd.f32 v10, v14;
	v14 =	vadd.f32 v48, v53  }
0x102: {  	v49 =	vmul.f32 v49, v37;
	v46 =	vmul.f32 v58, v34;
	v58 =	vld [tilespmem:s12+$0xFFFFFDA0]  }
0x103: {  	v47 =	vmul.f32 v59, v34;
	v59 =	vld [tilespmem:s12+$0xFFFFFDB0];
	v10 =	vadd.f32 v45, v10;
	v9 =	vadd.f32 v9, v14  }
0x104: {  	v56 =	vmul.f32 v56, v39;
	v35 =	vmul.f32 v35, v29;
	v48 =	vld [tilespmem:s12+$0xFFFFFE30];
	v55 =	vadd.f32 v55, v0  }
0x105: {  	v50 =	vmul.f32 v50, v38;
	v10 =	vadd.f32 v49, v10;
	v9 =	vadd.f32 v44, v9;
	v0 =	vld [tilespmem:s12+$0xFFFFFE20]  }
0x106: {  	v43 =	vmul.f32 v43, v38;
	v53 =	vadd.f32 v56, v54;
	v54 =	vadd.f32 v57, v55;
	v57 =	vmovc v63;
	v63 =	vld [tilespmem:s12+$0xFFFFFEA0]  }
0x107: {  	v45 =	vld [tilespmem:s12+$0xFFFFFEB0];
	v10 =	vadd.f32 v46, v10;
	v14 =	vmul.f32 v58, v37;
	v58 =	vmovc v7;
	v9 =	vadd.f32 v47, v9  }
0x108: {  	v36 =	vld [tilespmem:s12+$0xFFFFFF10];
	v7 =	vmovc v2;
	v43 =	vadd.f32 v43, v53;
	v2 =	vadd.f32 v50, v54;
	v50 =	vmul.f32 v59, v37  }
0x109: {  	v10 =	vadd.f32 v40, v10;
	v44 =	vld [tilespmem:s12+$0xFFFFFF30];
	v48 =	vmul.f32 v48, v34;
	v9 =	vadd.f32 v41, v9  }
0x10a: {  	v41 =	vld [tilespmem:s12+$0xFFFFFFD0];
	v14 =	vadd.f32 v14, v43;
	v0 =	vmul.f32 v0, v34;
	v43 =	vadd.f32 v50, v2  }
0x10b: {  	v10 =	vadd.f32 v35, v10;
	v47 =	vld [tilespmem:s12+$0xFFFFFFB0];
	v63 =	vmul.f32 v63, v32  }
0x10c: {  	v54 =	vld [tilespmem:s12+$0xFFFFFF20];
	v0 =	vadd.f32 v0, v14;
	v14 =	vadd.f32 v48, v43;
	v48 =	vmul.f32 v45, v32  }
0x10d: {  	v49 =	vld [tilespmem:s12+$0xFFFFFFA0];
	v59 =	vmov v4;
	v4 =	vmov v13;
	v13 =	vadd.f32 v51, v10  }
0x10e: {  	v46 =	vld [tilespmem:s12+$0xFFFFFEC0];
	v0 =	vadd.f32 v63, v0;
	v63 =	vmul.f32 v44, v29;
	v14 =	vadd.f32 v48, v14  }
0x10f: {  	v35 =	vld [tilespmem:s12+$0xFFFFFF50];
	v10 =	vmul.f32 v41, v28  }
0x110: {  	v41 =	vadd.f32 v22, v13;
	v13 =	vld [tilespmem:$0x1FE70];
	v14 =	vadd.f32 v63, v14;
	v63 =	vmul.f32 v47, v28  }
0x111: {  	v36 =	vmul.f32 v36, v29;
	v43 =	vld [tilespmem:s12+$0xFFFFFED0];
	v40 =	vmul.f32 v54, v29  }
0x112: {  	v56 =	vld [tilespmem:$0x1FDE0];
	v63 =	vadd.f32 v63, v14  }
0x113: {  	v53 =	vld [tilespmem:$0x1FDF0];
	v9 =	vadd.f32 v36, v9;
	v36 =	vmul.f32 v49, v28;
	v49 =	vmovc v3;
	v0 =	vadd.f32 v40, v0  }
0x114: {  	v3 =	vmovc v25;
	v25 =	vld [tilespmem:s12+$0xFFFFFCC0];
	v50 =	vmovc v6;
	v6 =	vmov v15;
	v15 =	vmul.f32 v35, v29;
	v35 =	vadd.f32 v31, v63  }
0x115: {  	v51 =	vld [tilespmem:$0x1FE20];
	v0 =	vadd.f32 v36, v0  }
0x116: {  	v36 =	vadd.f32 v61, v41;
	v61 =	vmul.f32 v43, v32;
	v43 =	vadd.f32 v13, v35;
	v13 =	vld [tilespmem:$0x1FE90]  }
0x117: {  	v44 =	vld [tilespmem:s12+$0xFFFFFF40]  }
0x118: {  	v2 =	vld [tilespmem:$0x1FE10]  }
0x119: {  	v45 =	vld [tilespmem:s12+$0xFFFFFFC0]  }
0x11a: {  	v54 =	vld [tilespmem:$0x1FE00];
	v48 =	vadd.f32 v52, v9  }
0x11b: {  	v35 =	vadd.f32 v13, v36;
	v13 =	vld [tilespmem:$0x1FEA0]  }
0x11c: {  	v52 =	vld [tilespmem:$0x1FE30];
	v14 =	vmul.f32 v44, v29;
	v44 =	vadd.f32 v33, v48  }
0x11d: {  	v40 =	vld [tilespmem:s12+$0xFFFFFE50]  }
0x11e: {  	v47 =	vmov v26;
	v26 =	vld [tilespmem:s12+$0xFFFFFD50];
	v41 =	vadd.f32 v30, v44  }
0x11f: {  	v9 =	vmul.f32 v45, v28;
	v45 =	vld [tilespmem:s12+$0xFFFFFE40]  }
0x120: {  	v36 =	vadd.f32 v13, v41;
	v13 =	vld [tilespmem:$0x1FEC0]  }
0x121: {  	v48 =	vld [tilespmem:$0x1FE40];
	v0 =	vadd.f32 v60, v0  }
0x122: {  	v33 =	vld [tilespmem:s12+$0xFFFFFDC0]  }
0x123: {  	v60 =	vmul.f32 v46, v32;
	v46 =	vld [tilespmem:$0x1FE50];
	v0 =	vadd.f32 v62, v0  }
0x124: {  	v31 =	vld [tilespmem:s12+$0xFFFFFDD0]  }
0x125: {  	p0 =	sne.s32 s16, $0x1F0;
	v55 =	vmov v21;
	v21 =	vadd.f32 v13, v0;
	v0 =	vld [tilespmem:$0x1FED0]  }
.Ltmp0:
0x126: {  	v44 =	vld [tilespmem:$0x1FE60];
	(pc) =	sbr.rel @p0 .LBB2_3-.Ltmp0, $4  }
0x127: {  	v30 =	vld [tilespmem:s12+$0xFFFFFD40]  }
0x128: {  	v62 =	vmul.f32 v45, v34;
	v45 =	vld [tilespmem:$0x1FE80]  }
0x129: {  	v41 =	vld [tilespmem:$0x1FEB0]  }
0x12a: {  	s16 =	sadd.s32 $0x10, s16;
	v63 =	vmul.f32 v40, v34;
	v22 =	vadd.f32 v0, v43;
	v43 =	vld [tilespmem:$0x1FEE0]  }
0x12b: {  	v0 =	vadd.f32 v8, v35;
	v8 =	vadd.f32 v11, v36;
	_ =	sdelay $0x1  }
0x12c: {  	v0 =	vadd.f32 v4, v0;
	v5 =	vadd.f32 v5, v8;
	_ =	sdelay $0x1  }
0x12d: {  	v0 =	vadd.f32 v1, v0;
	v1 =	vadd.f32 v2, v5;
	v2 =	vld [tilespmem:$0x1FF80]  }
0x12e: {  	v36 =	vadd.f32 v12, v21;
	_ =	sdelay $0x1  }
0x12f: {  	v6 =	vadd.f32 v6, v36;
	_ =	sdelay $0x1  }
0x130: {  	v40 =	vadd.f32 v3, v22;
	v2 =	vadd.f32 v2, v6;
	v6 =	vld [tilespmem:$0x1FF40];
	_ =	sdelay $0x1  }
0x131: {  	v7 =	vadd.f32 v7, v40;
	v40 =	vld [tilespmem:$0x1FEF0];
	_ =	sdelay $0x2  }
0x132: {  	v3 =	vadd.f32 v57, v7;
	v7 =	vld [tilespmem:$0x1FF50];
	v0 =	vadd.f32 v6, v0;
	_ =	sdelay $0x1  }
0x133: {  	v12 =	vadd.f32 v40, v0;
	v0 =	vld [tilespmem:$0x1FF00];
	_ =	sdelay $0x2  }
0x134: {  	v1 =	vadd.f32 v7, v1;
	v7 =	vld [tilespmem:$0x1FF60];
	_ =	sdelay $0x1  }
0x135: {  	v1 =	vadd.f32 v0, v1;
	v0 =	vld [tilespmem:$0x1FF10]  }
0x136: {  	v35 =	vld [tilespmem:s12+$0xFFFFFC50]  }
0x137: {  	v36 =	vld [tilespmem:$0x1FF70]  }
0x138: {  	v5 =	vld [tilespmem:s12+$0xFFFFFC60];
	v2 =	vadd.f32 v7, v2  }
0x139: {  	v6 =	vld [tilespmem:s12+$0xFFFFFC70]  }
0x13a: {  	v2 =	vadd.f32 v0, v2;
	v0 =	vld [tilespmem:$0x1FF20]  }
0x13b: {  	v13 =	vld [tilespmem:s12+$0xFFFFFCF0]  }
0x13c: {  	v22 =	vld [tilespmem:s12+$0xFFFFFD70]  }
0x13d: {  	v8 =	vld [tilespmem:s12+$0xFFFFFC40];
	v3 =	vadd.f32 v36, v3  }
0x13e: {  	v4 =	vld [tilespmem:s12+$0xFFFFFCD0]  }
0x13f: {  	v0 =	vadd.f32 v0, v3;
	v3 =	vmul.f32 v5, v42;
	v5 =	vmul.f32 v6, v42;
	v6 =	vld [tilespmem:$0x1FF30]  }
0x140: {  	v7 =	vld [tilespmem:s12+$0xFFFFFCE0];
	_ =	sdelay $0x1  }
0x141: {  	v11 =	vmul.f32 v35, v42;
	v8 =	vmul.f32 v8, v42  }
0x142: {  	v21 =	vmul.f32 v25, v39;
	v13 =	vmul.f32 v13, v39;
	v42 =	vld [tilespmem:s12+$0xFFFFFD60]  }
0x143: {  	v4 =	vmul.f32 v4, v39;
	v6 =	vadd.f32 v8, v6;
	v8 =	vadd.f32 v11, v56  }
0x144: {  	v25 =	vld [tilespmem:s12+$0xFFFFFDE0];
	v22 =	vmul.f32 v22, v38;
	v7 =	vmul.f32 v7, v39;
	v3 =	vadd.f32 v3, v53  }
0x145: {  	v6 =	vadd.f32 v21, v6;
	v21 =	vmul.f32 v30, v38;
	v4 =	vadd.f32 v4, v8;
	v8 =	vld [tilespmem:s12+$0xFFFFFDF0]  }
0x146: {  	v5 =	vadd.f32 v5, v52;
	v53 =	vld [tilespmem:s12+$0xFFFFFE60];
	v3 =	vadd.f32 v7, v3;
	v7 =	vmul.f32 v26, v38  }
0x147: {  	v26 =	vmul.f32 v33, v37;
	v11 =	vmul.f32 v42, v38;
	v6 =	vadd.f32 v21, v6;
	v21 =	vld [tilespmem:s12+$0xFFFFFE70]  }
0x148: {  	v5 =	vadd.f32 v13, v5;
	v30 =	vmul.f32 v31, v37;
	v4 =	vadd.f32 v7, v4;
	v7 =	vld [tilespmem:s12+$0xFFFFFEE0]  }
0x149: {  	v56 =	vmul.f32 v25, v37;
	v25 =	vld [tilespmem:s12+$0xFFFFFEF0];
	v3 =	vadd.f32 v11, v3;
	v6 =	vadd.f32 v26, v6  }
0x14a: {  	v5 =	vadd.f32 v22, v5;
	v22 =	vld [tilespmem:s12+$0xFFFFFF60];
	v4 =	vadd.f32 v30, v4;
	v8 =	vmul.f32 v8, v37  }
0x14b: {  	v39 =	vld [tilespmem:$0x1FFF0];
	v57 =	vmul.f32 v53, v34;
	v3 =	vadd.f32 v56, v3;
	v6 =	vadd.f32 v62, v6  }
0x14c: {  	v33 =	vld [tilespmem:s12+$0xFFFFFF70];
	v4 =	vadd.f32 v63, v4;
	v5 =	vadd.f32 v8, v5;
	v8 =	vmul.f32 v21, v34  }
0x14d: {  	v3 =	vadd.f32 v57, v3;
	v21 =	vld [tilespmem:s12+$0xFFFFFFE0];
	v7 =	vmul.f32 v7, v32;
	v6 =	vadd.f32 v60, v6  }
0x14e: {  	v34 =	vld [tilespmem:s12+$0xFFFFFFF0];
	v4 =	vadd.f32 v61, v4;
	v5 =	vadd.f32 v8, v5;
	v8 =	vmul.f32 v25, v32  }
0x14f: {  	v25 =	vld [tilespmem:s12+$0x60];
	v3 =	vadd.f32 v7, v3;
	v7 =	vmul.f32 v22, v29;
	v6 =	vadd.f32 v14, v6  }
0x150: {  	v35 =	vld [tilespmem:s12+$0x70];
	v4 =	vadd.f32 v15, v4;
	v5 =	vadd.f32 v8, v5  }
0x151: {  	v36 =	vld [tilespmem:s12+$0xE0];
	v8 =	vmul.f32 v33, v29;
	v3 =	vadd.f32 v7, v3;
	v29 =	vimm.s32 $0x9  }
0x152: {  	v40 =	vld [tilespmem:s12+$0x170];
	v7 =	vmul.f32 v21, v28;
	v6 =	vadd.f32 v9, v6;
	v4 =	vadd.f32 v10, v4  }
0x153: {  	v37 =	vld [tilespmem:s12+$0xF0];
	v5 =	vadd.f32 v8, v5;
	v8 =	vmul.f32 v34, v28;
	v28 =	vimm.s32 $0x6  }
0x154: {  	v38 =	vld [tilespmem:s12+$0x160];
	v3 =	vadd.f32 v7, v3;
	v7 =	vmul.f32 v25, v27;
	v6 =	vadd.f32 v39, v6  }
0x155: {  	v52 =	vld [tilespmem:s12+$0x1F0];
	v34 =	vimm.s32 $0x7;
	v4 =	vadd.f32 v58, v4;
	v5 =	vadd.f32 v8, v5  }
0x156: {  	v42 =	vld [tilespmem:s12+$0x1E0];
	v8 =	vmul.f32 v35, v27;
	v27 =	vimm.s32 $0xB;
	v3 =	vadd.f32 v7, v3  }
0x157: {  	v53 =	vld [tilespmem:s12+$0x260];
	v7 =	vmul.f32 v36, v24;
	v6 =	vadd.f32 v50, v6;
	v4 =	vadd.f32 v49, v4  }
0x158: {  	v56 =	vld [tilespmem:s12+$0x270];
	v5 =	vadd.f32 v8, v5;
	v8 =	vmul.f32 v37, v24;
	v24 =	vimm.s32 $0x8  }
0x159: {  	v61 =	vld [tilespmem:$0x1FF90];
	v3 =	vadd.f32 v7, v3;
	v7 =	vmul.f32 v38, v23;
	v6 =	vadd.f32 v46, v6  }
0x15a: {  	v57 =	vld [tilespmem:s12+$0x2E0];
	v4 =	vadd.f32 v47, v4;
	v5 =	vadd.f32 v8, v5;
	v8 =	vmul.f32 v40, v23  }
0x15b: {  	v58 =	vld [tilespmem:s12+$0x2F0];
	v3 =	vadd.f32 v7, v3;
	v7 =	vmul.f32 v42, v20;
	v6 =	vadd.f32 v59, v6  }
0x15c: {  	v4 =	vadd.f32 v41, v4;
	v59 =	vld [tilespmem:s12+$0x360];
	v5 =	vadd.f32 v8, v5;
	v8 =	vmul.f32 v52, v20  }
0x15d: {  	v60 =	vld [tilespmem:s12+$0x370];
	v3 =	vadd.f32 v7, v3;
	v7 =	vmul.f32 v53, v19;
	v6 =	vadd.f32 v55, v6  }
0x15e: {  	v62 =	vld [tilespmem:s12+$0x3E0];
	v4 =	vadd.f32 v61, v4;
	v5 =	vadd.f32 v8, v5;
	v8 =	vmul.f32 v56, v19  }
0x15f: {  	v63 =	vld [tilespmem:s12+$0x3F0];
	v3 =	vadd.f32 v7, v3;
	v7 =	vmul.f32 v57, v18;
	v6 =	vadd.f32 v51, v6  }
0x160: {  	s31 =	sshrl.u32 s13, $0x2;
	v4 =	vadd.f32 v54, v4;
	v5 =	vadd.f32 v8, v5;
	v8 =	vmul.f32 v58, v18  }
0x161: {  	[tilespmem:s31+$0x17000] =	vst v12;
	v3 =	vadd.f32 v7, v3;
	v6 =	vadd.f32 v48, v6;
	v7 =	vmul.f32 v59, v17  }
0x162: {  	s11 =	sadd.s32 $0x1, s11;
	[tilespmem:s31+$0x17010] =	vst v1;
	v4 =	vadd.f32 v45, v4;
	v5 =	vadd.f32 v8, v5;
	v8 =	vmul.f32 v60, v17  }
0x163: {  	p0 =	sne.s32 s11, $0x38;
	[tilespmem:s31+$0x17020] =	vst v2;
	v2 =	vmul.f32 v62, v16;
	v1 =	vadd.f32 v7, v3;
	v3 =	vadd.f32 v44, v6  }
.Ltmp1:
0x164: {  	[tilespmem:s31+$0x17030] =	vst v0;
	v6 =	vmul.f32 v63, v16;
	v4 =	vadd.f32 v43, v4;
	v5 =	vadd.f32 v8, v5;
	(pc) =	sbr.rel @p0 .LBB2_2-.Ltmp1, $4  }
0x165: {  	v23 =	vimm.s32 $0xD;
	v20 =	vimm.s32 $0xA;
	v0 =	vadd.f32 v2, v1;
	[tilespmem:s31+$0x17040] =	vst v3  }
0x166: {  	v19 =	vimm.s32 $0xF;
	v18 =	vimm.s32 $0xC;
	[tilespmem:s31+$0x17050] =	vst v4;
	v1 =	vadd.f32 v6, v5  }
0x167: {  	v16 =	vimm.s32 $0xE;
	v2 =	vimm.s32 $0x2;
	v3 =	vimm.s32 $0x3;
	[tilespmem:s31+$0x17060] =	vst v0  }
0x168: {  	v6 =	vimm.s32 $0x4;
	v0 =	vimm.s32 $0x0;
	[tilespmem:s31+$0x17070] =	vst v1;
	v1 =	vimm.s32 $0x1  }
0x169: {  	s10 =	sadd.s32 $0x1, s10  }
0x16a: {  	p0 =	sne.s32 s10, s7  }
.Ltmp2:
0x16b: {  	_ = 	snop;
	(pc) =	sbr.rel @p0 .LBB2_1-.Ltmp2, $4  }
0x16c: {  	[hbm4b:s6+s2] =	stream.linear.scatter [tilespmem:s9], [sflag:$0x1], $0x1C00, $0x38;
	[tilespmem:$0x18C00] =	vst v63  }
0x16d: {  	_ =	swait.ge [sflag:s3], $0x1C00  }
0x16e: {  	[sflag:s3] =	ssyncset.done $0x0  }
0x16f: {  	[sflag:s3] =	ssyncadd.s32 $0xFFFFE400  }
0x170: {  	_ =	sfence.sel $0x180000  }
0x171: {  	[bflag:$0x0] =	sbarrier.arrive $0xFFFF  }
0x172: {  	p0 =	sne.s32 s0, $0x0;
	_ =	strace $0x90000047  }
0x173: {  	s0 =	sadd.s32 @!p0 $0x100000, s1;
	[bflag:$0x2] =	sbarrier.arrive $0xFFFF  }
0x174: {  	[sflag:s0] =	ssyncadd.tile.s32 @!p0 $0x1;
	_ =	shalt  }
.Lfunc_end2:
_tile_overlayer_lowered:
.L_overlay_start_2:
0x175: {  	(tag) =	ssettag $0x2  }
0x176: {  	s0 =	rddreg [dreg:$0x0];
	s2 =	stileid.u32  }
0x177: {  	s1 =	rddreg [dreg:$0x1];
	p0 =	sne.s32 s2, $0x0  }
0x178: {  	s3 =	rddreg [dreg:$0x2];
	[bflag:$0x3] =	sbarrier.arrive $0xFFFF;
	s2 =	simm.s32 @!p0 $0x1C01  }
0x179: {  	[timem:s3], [sflag:s2] =	dma.local @!p0 [hbm:s0], s1  }
0x17a: {  	s0 =	simm.s32 @!p0 $0x1  }
0x17b: {  	_ =	swait.ge @!p0 [sflag:s0], s1  }
0x17c: {  	s1 =	ssub.s32 @!p0 $0x0, s1;
	[sflag:s0] =	ssyncset.done @!p0 $0x0  }
0x17d: {  	[sflag:s0] =	ssyncadd.s32 @!p0 s1  }
0x17e: {  	[bflag:$0x3] =	sbarrier.arrive $0xFFFF  }
0x17f: {  	_ =	shalt  }

</sc_bundles>
